<compile_context>
chip_gen: v7x
topology: tpu7x:2x2x1
jax: 0.10.2.dev20260603
libtpu: 0.0.44.dev20260713+nightly
codegen_flags: <defaults>
</compile_context>

<pallas_src>
import functools

import jax
import jax.numpy as jnp
from jax import lax
from jax.experimental import pallas as pl
from jax.experimental.pallas import tpu as pltpu
from jax.experimental.pallas import tpu_sc as plsc

DIM = 16
NUM_CORES = 2
NUM_SUBCORES = 16
NUM_WORKERS = NUM_CORES * NUM_SUBCORES
CB = 4
CHUNK = 1024
TBLK = 64

_SC_PARAMS = pltpu.CompilerParams(
    use_tc_tiling_on_sc=False, needs_layout_passes=False)


@jax.jit
def _compact_table(table_split):
    nblk = table_split.shape[0]
    per_w = nblk // NUM_WORKERS
    rem = nblk - per_w * NUM_WORKERS
    cpb = 61
    groups = per_w // cpb
    gr_rem = per_w - groups * cpb
    mesh = plsc.VectorSubcoreMesh(core_axis_name="c", subcore_axis_name="s")

    @functools.partial(
        pl.kernel,
        mesh=mesh,
        out_type=jax.ShapeDtypeStruct(table_split.shape, jnp.float32),
        scratch_types=[
            pltpu.VMEM((2, cpb, TBLK, DIM), jnp.float32),
            pltpu.SemaphoreType.DMA,
            pltpu.SemaphoreType.DMA,
            pltpu.SemaphoreType.DMA,
            pltpu.SemaphoreType.DMA,
        ],
        compiler_params=_SC_PARAMS,
    )
    def body(src, dst, buf, sin0, sin1, sout0, sout1):
        sin = (sin0, sin1)
        sout = (sout0, sout1)
        wid = lax.axis_index("s") * NUM_CORES + lax.axis_index("c")
        b0 = wid * per_w

        def cin(g, b):
            return pltpu.make_async_copy(
                src.at[pl.ds(b0 + g * cpb, cpb)], buf.at[b], sin[b])

        def cout(g, b):
            return pltpu.make_async_copy(
                buf.at[b], dst.at[pl.ds(b0 + g * cpb, cpb)], sout[b])

        cin(0, 0).start()
        pl.when(groups > 1)(lambda: cin(1, 1).start())

        def step(g, carry):
            for b in range(2):
                i = g * 2 + b

                def run():
                    cin(i, b).wait()
                    cout(i, b).start()
                    cout(i, b).wait()
                    pl.when(i + 2 < groups)(lambda: cin(i + 2, b).start())
                pl.when(i < groups)(run)
            return carry

        lax.fori_loop(0, (groups + 1) // 2, step, 0)

        def small(t0, n):
            c1 = pltpu.make_async_copy(
                src.at[pl.ds(t0, n)], buf.at[0, pl.ds(0, n)], sin[0])
            c1.start()
            c1.wait()
            c2 = pltpu.make_async_copy(
                buf.at[0, pl.ds(0, n)], dst.at[pl.ds(t0, n)], sout[0])
            c2.start()
            c2.wait()

        if gr_rem:
            small(b0 + groups * cpb, gr_rem)
        if rem:
            pl.when(wid == 0)(lambda: small(nblk - rem, rem))

    return body(table_split)


@functools.partial(jax.jit, static_argnums=(2, 3))
def _gather_rows(idx_slabs, table_lin, bsz, lsz):
    nbc = bsz // 128
    nlt = lsz // 8
    chunks = nlt * CB
    mesh = plsc.VectorSubcoreMesh(core_axis_name="c", subcore_axis_name="s")

    @functools.partial(
        pl.kernel,
        mesh=mesh,
        out_type=jax.ShapeDtypeStruct((nlt, 8, 2, nbc, 1024), jnp.float32),
        scratch_types=[
            pltpu.VMEM((2, CHUNK), jnp.int32),
            pltpu.VMEM((2, CHUNK, DIM), jnp.float32),
            pltpu.VMEM((2, 8, 2, 1024), jnp.float32),
            pltpu.SemaphoreType.DMA,
            pltpu.SemaphoreType.DMA,
            pltpu.SemaphoreType.DMA,
            pltpu.SemaphoreType.DMA,
            pltpu.SemaphoreType.DMA,
            pltpu.SemaphoreType.DMA,
        ],
        compiler_params=_SC_PARAMS,
    )
    def body(idx_hbm, table_hbm, out_hbm, idx_v, rows_v, tp_v,
             si0, si1, sg0, sg1, so0, so1):
        si = (si0, si1)
        sg = (sg0, sg1)
        so = (so0, so1)
        wid = lax.axis_index("s") * NUM_CORES + lax.axis_index("c")
        col0 = wid * CB
        iota = lax.iota(jnp.int32, 16)
        giota = [g * 16 + iota for g in range(8)]
        dcol = [jnp.full((16,), d, jnp.int32) for d in range(DIM)]
        bsel = [jnp.full((16,), b, jnp.int32) for b in range(2)]

        def idx_copy(c, b):
            return pltpu.make_async_copy(
                idx_hbm.at[c // CB, col0 + c % CB], idx_v.at[b], si[b])

        def gather(b):
            return pltpu.make_async_copy(
                table_hbm.at[idx_v.at[b]], rows_v.at[b], sg[b])

        def store_one(c, b, l8, dt):
            return pltpu.make_async_copy(
                tp_v.at[b, l8, dt],
                out_hbm.at[c // CB, l8, dt, col0 + c % CB], so[b])

        def stores_start(c, b):
            for l8 in range(8):
                for dt in range(2):
                    store_one(c, b, l8, dt).start()

        def stores_wait(c, b):
            for l8 in range(8):
                for dt in range(2):
                    store_one(c, b, l8, dt).wait()

        def transpose(b):
            def per_l8(l8, carry):
                rb = l8 * 128
                for g in range(8):
                    row = rb + giota[g]
                    vs = [plsc.load_gather(rows_v, [bsel[b], row, dcol[d]])
                          for d in range(DIM)]
                    for d in range(DIM):
                        dt, d8 = divmod(d, 8)
                        tp_v[b, l8, dt, pl.ds(d8 * 128 + g * 16, 16)] = vs[d]
                return carry
            lax.fori_loop(0, 8, per_l8, 0)

        idx_copy(0, 0).start()
        idx_copy(0, 0).wait()
        gather(0).start()
        idx_copy(1, 1).start()

        def step(g, carry):
            for b in range(2):
                c = g * 2 + b
                b2 = 1 - b
                def launch_next():
                    idx_copy(c + 1, b2).wait()
                    gather(b2).start()
                pl.when(c + 1 < chunks)(launch_next)
                gather(b).wait()
                pl.when(c + 2 < chunks)(lambda: idx_copy(c + 2, b).start())
                pl.when(c >= 2)(lambda: stores_wait(c, b))
                transpose(b)
                stores_start(c, b)
            return carry

        lax.fori_loop(0, chunks // 2, step, 0)
        for b in range(2):
            stores_wait(0, b)

    return body(idx_slabs, table_lin)


def kernel(X, table):
    b, l = X.shape
    v = table.shape[0]
    idx_slabs = (X.reshape(b // 128, 128, l // 8, 8)
                 .transpose(2, 0, 3, 1).reshape(l // 8, 128, 1024))
    table_lin = _compact_table(table.reshape(v // TBLK, TBLK, DIM))
    p = _gather_rows(idx_slabs, table_lin.reshape(v, DIM), b, l)
    return (p.reshape(l, 2, b // 128, 8, 128)
            .transpose(2, 4, 0, 1, 3).reshape(b, l, DIM))

# --- scband reference (transcript-rebuilt; emitter-appended) ---
"""Pipeline reference for scband-embedding-52381421142710 (READ-ONLY COPY).

The authoritative reference and input builder live on the scoring server;
editing this copy changes nothing except your own understanding.
"""

import jax, jax.numpy as jnp
import numpy as np

VOCAB = 1000000
DIM = 16
B = 16384
L = 200

def setup_inputs(seed: int = 0) -> dict:
    key = jax.random.key(seed)
    k1, k2 = jax.random.split(key)
    X = jax.random.randint(k1, (B, L), 0, VOCAB, dtype=jnp.int64 if jax.config.jax_enable_x64 else jnp.int32).astype(jnp.int32)
    table = jax.random.normal(k2, (VOCAB, DIM), dtype=jnp.float32)
    # padding_idx=0: row 0 is zeros (nn.Embedding initializes padding row to zero)
    table = table.at[0].set(0.0)
    return {"X": X, "table": table}

def reference(X, table):
    # Original module pads ragged python lists to max_len with index 0, then looks up.
    # Here X is already a dense [B, L] index tensor; lookup is jnp.take on rows.
    return jnp.take(table, X, axis=0)

if __name__ == "__main__":
    import jax
    _d = setup_inputs()
    print(jax.jit(kernel)(*tuple(_d.values())))

</pallas_src>

<mosaic_0001>
#map = affine_map<(d0, d1) -> (0, 0, 0)>
module attributes {stable_mosaic.version = 14 : i64} {
  func.func @body(%arg0: i32, %arg1: i32, %arg2: memref<15625x64x16xf32, #tpu.memory_space<hbm>>, %arg3: memref<15625x64x16xf32, #tpu.memory_space<hbm>>, %arg4: memref<2x61x64x16xf32, #tpu.memory_space<vmem>>, %arg5: memref<!tpu.dma_semaphore, #tpu.memory_space<semaphore_mem>>, %arg6: memref<!tpu.dma_semaphore, #tpu.memory_space<semaphore_mem>>, %arg7: memref<!tpu.dma_semaphore, #tpu.memory_space<semaphore_mem>>, %arg8: memref<!tpu.dma_semaphore, #tpu.memory_space<semaphore_mem>>) attributes {dimension_semantics = [#tpu.dimension_semantics<core_parallel>, #tpu.dimension_semantics<subcore_parallel>], iteration_bounds = array<i64: 2, 16>, scalar_prefetch = 0 : i64, scratch_operands = 5 : i64, tpu.core_type = #tpu.core_type<sc_vector_subcore>, window_params = [{transform_indices = #map}, {transform_indices = #map}]} {
    %mul3A = arith.constant 2 : i32
    %mul3A_0 = arith.muli %arg1, %mul3A : i32
    %add3A = arith.addi %mul3A_0, %arg0 : i32
    %mul3A_1 = arith.constant 488 : i32
    %mul3A_2 = arith.muli %add3A, %mul3A_1 : i32
    %add3A_3 = arith.constant 0 : i32
    %add3A_4 = arith.addi %mul3A_2, %add3A_3 : i32
    %dma_start3A = arith.constant 0 : i32
    %dma_start3A_5 = arith.constant 0 : i32
    %dma_start3A_6 = arith.constant 0 : i32
    %dma_start3A_7 = arith.constant 0 : i32
    %dma_start3A_8 = tpu.memref_slice %arg4[%dma_start3A, %dma_start3A_5, %dma_start3A_6, %dma_start3A_7] : memref<2x61x64x16xf32, #tpu.memory_space<vmem>> -> memref<1x61x64x16xf32, #tpu.memory_space<vmem>>
    %dma_start3A_9 = tpu.memref_squeeze %dma_start3A_8 : memref<1x61x64x16xf32, #tpu.memory_space<vmem>> -> memref<61x64x16xf32, #tpu.memory_space<vmem>>
    %dma_start3A_10 = arith.constant 0 : i32
    %dma_start3A_11 = arith.constant 0 : i32
    %dma_start3A_12 = tpu.memref_slice %arg2[%add3A_4, %dma_start3A_10, %dma_start3A_11] : memref<15625x64x16xf32, #tpu.memory_space<hbm>> -> memref<61x64x16xf32, #tpu.memory_space<hbm>>
    %dma_start3A_13 = arith.constant 0 : i32
    %dma_start3A_14 = arith.constant 0 : i32
    %dma_start3A_15 = arith.constant 0 : i32
    %dma_start3A_16 = tpu.memref_slice %arg4[%dma_start3A, %dma_start3A_13, %dma_start3A_14, %dma_start3A_15] : memref<2x61x64x16xf32, #tpu.memory_space<vmem>> -> memref<1x61x64x16xf32, #tpu.memory_space<vmem>>
    %dma_start3A_17 = tpu.memref_squeeze %dma_start3A_16 : memref<1x61x64x16xf32, #tpu.memory_space<vmem>> -> memref<61x64x16xf32, #tpu.memory_space<vmem>>
    %dma_start3A_18 = arith.constant 0 : i32
    %dma_start3A_19 = arith.constant 0 : i32
    %dma_start3A_20 = tpu.memref_slice %arg2[%add3A_4, %dma_start3A_18, %dma_start3A_19] : memref<15625x64x16xf32, #tpu.memory_space<hbm>> -> memref<61x64x16xf32, #tpu.memory_space<hbm>>
    tpu.enqueue_dma source(%dma_start3A_20 : memref<61x64x16xf32, #tpu.memory_space<hbm>>) target(%dma_start3A_17 : memref<61x64x16xf32, #tpu.memory_space<vmem>>) target_semaphore(%arg5 : memref<!tpu.dma_semaphore, #tpu.memory_space<semaphore_mem>>)
    %add3A_21 = arith.constant 61 : i32
    %add3A_22 = arith.addi %mul3A_2, %add3A_21 : i32
    %dma_start3A_23 = arith.constant 1 : i32
    %dma_start3A_24 = arith.constant 0 : i32
    %dma_start3A_25 = arith.constant 0 : i32
    %dma_start3A_26 = arith.constant 0 : i32
    %dma_start3A_27 = tpu.memref_slice %arg4[%dma_start3A_23, %dma_start3A_24, %dma_start3A_25, %dma_start3A_26] : memref<2x61x64x16xf32, #tpu.memory_space<vmem>> -> memref<1x61x64x16xf32, #tpu.memory_space<vmem>>
    %dma_start3A_28 = tpu.memref_squeeze %dma_start3A_27 : memref<1x61x64x16xf32, #tpu.memory_space<vmem>> -> memref<61x64x16xf32, #tpu.memory_space<vmem>>
    %dma_start3A_29 = arith.constant 0 : i32
    %dma_start3A_30 = arith.constant 0 : i32
    %dma_start3A_31 = tpu.memref_slice %arg2[%add3A_22, %dma_start3A_29, %dma_start3A_30] : memref<15625x64x16xf32, #tpu.memory_space<hbm>> -> memref<61x64x16xf32, #tpu.memory_space<hbm>>
    %dma_start3A_32 = arith.constant 0 : i32
    %dma_start3A_33 = arith.constant 0 : i32
    %dma_start3A_34 = arith.constant 0 : i32
    %dma_start3A_35 = tpu.memref_slice %arg4[%dma_start3A_23, %dma_start3A_32, %dma_start3A_33, %dma_start3A_34] : memref<2x61x64x16xf32, #tpu.memory_space<vmem>> -> memref<1x61x64x16xf32, #tpu.memory_space<vmem>>
    %dma_start3A_36 = tpu.memref_squeeze %dma_start3A_35 : memref<1x61x64x16xf32, #tpu.memory_space<vmem>> -> memref<61x64x16xf32, #tpu.memory_space<vmem>>
    %dma_start3A_37 = arith.constant 0 : i32
    %dma_start3A_38 = arith.constant 0 : i32
    %dma_start3A_39 = tpu.memref_slice %arg2[%add3A_22, %dma_start3A_37, %dma_start3A_38] : memref<15625x64x16xf32, #tpu.memory_space<hbm>> -> memref<61x64x16xf32, #tpu.memory_space<hbm>>
    tpu.enqueue_dma source(%dma_start3A_39 : memref<61x64x16xf32, #tpu.memory_space<hbm>>) target(%dma_start3A_36 : memref<61x64x16xf32, #tpu.memory_space<vmem>>) target_semaphore(%arg6 : memref<!tpu.dma_semaphore, #tpu.memory_space<semaphore_mem>>)
    %scan3A = arith.constant 0 : i32
    %scan3A_40 = arith.constant 0 : i32
    %scan3A_41 = arith.constant 4 : i32
    %scan3A_42 = arith.addi %scan3A_40, %scan3A_41 : i32
    %scan3A_43 = arith.constant 1 : i32
    scf.for %scan3A_47 = %scan3A_40 to %scan3A_42 step %scan3A_43  : i32 {
      %mul3A_48 = arith.constant 2 : i32
      %mul3A_49 = arith.muli %scan3A_47, %mul3A_48 : i32
      %add3A_50 = arith.constant 0 : i32
      %add3A_51 = arith.addi %mul3A_49, %add3A_50 : i32
      %lt3A = arith.constant 8 : i32
      %lt3A_52 = arith.cmpi slt, %add3A_51, %lt3A : i32
      %convert_element_type3A_53 = arith.extui %lt3A_52 : i1 to i32
      %cond3A_54 = arith.constant 0 : i32
      %cond3A_55 = arith.cmpi ne, %convert_element_type3A_53, %cond3A_54 : i32
      scf.if %cond3A_55 {
        %mul3A_65 = arith.constant 61 : i32
        %mul3A_66 = arith.muli %add3A_51, %mul3A_65 : i32
        %add3A_67 = arith.addi %mul3A_2, %mul3A_66 : i32
        %dma_wait3A = arith.constant 0 : i32
        %dma_wait3A_68 = arith.constant 0 : i32
        %dma_wait3A_69 = arith.constant 0 : i32
        %dma_wait3A_70 = arith.constant 0 : i32
        %dma_wait3A_71 = tpu.memref_slice %arg4[%dma_wait3A, %dma_wait3A_68, %dma_wait3A_69, %dma_wait3A_70] : memref<2x61x64x16xf32, #tpu.memory_space<vmem>> -> memref<1x61x64x16xf32, #tpu.memory_space<vmem>>
        %dma_wait3A_72 = tpu.memref_squeeze %dma_wait3A_71 : memref<1x61x64x16xf32, #tpu.memory_space<vmem>> -> memref<61x64x16xf32, #tpu.memory_space<vmem>>
        %dma_wait3A_73 = arith.constant 0 : i32
        %dma_wait3A_74 = arith.constant 0 : i32
        %dma_wait3A_75 = tpu.memref_slice %arg2[%add3A_67, %dma_wait3A_73, %dma_wait3A_74] : memref<15625x64x16xf32, #tpu.memory_space<hbm>> -> memref<61x64x16xf32, #tpu.memory_space<hbm>>
        %dma_wait3A_76 = arith.constant 0 : i32
        %dma_wait3A_77 = arith.constant 0 : i32
        %dma_wait3A_78 = arith.constant 0 : i32
        %dma_wait3A_79 = tpu.memref_slice %arg4[%dma_wait3A, %dma_wait3A_76, %dma_wait3A_77, %dma_wait3A_78] : memref<2x61x64x16xf32, #tpu.memory_space<vmem>> -> memref<1x61x64x16xf32, #tpu.memory_space<vmem>>
        %dma_wait3A_80 = tpu.memref_squeeze %dma_wait3A_79 : memref<1x61x64x16xf32, #tpu.memory_space<vmem>> -> memref<61x64x16xf32, #tpu.memory_space<vmem>>
        %dma_wait3A_81 = arith.constant 0 : i32
        %dma_wait3A_82 = arith.constant 0 : i32
        %dma_wait3A_83 = tpu.memref_slice %arg2[%add3A_67, %dma_wait3A_81, %dma_wait3A_82] : memref<15625x64x16xf32, #tpu.memory_space<hbm>> -> memref<61x64x16xf32, #tpu.memory_space<hbm>>
        tpu.wait_dma2 semaphore(%arg5 : memref<!tpu.dma_semaphore, #tpu.memory_space<semaphore_mem>>) src(%dma_wait3A_83 : memref<61x64x16xf32, #tpu.memory_space<hbm>>) dst(%dma_wait3A_80 : memref<61x64x16xf32, #tpu.memory_space<vmem>>)
        %mul3A_84 = arith.constant 61 : i32
        %mul3A_85 = arith.muli %add3A_51, %mul3A_84 : i32
        %add3A_86 = arith.addi %mul3A_2, %mul3A_85 : i32
        %dma_start3A_87 = arith.constant 0 : i32
        %dma_start3A_88 = arith.constant 0 : i32
        %dma_start3A_89 = arith.constant 0 : i32
        %dma_start3A_90 = arith.constant 0 : i32
        %dma_start3A_91 = tpu.memref_slice %arg4[%dma_start3A_87, %dma_start3A_88, %dma_start3A_89, %dma_start3A_90] : memref<2x61x64x16xf32, #tpu.memory_space<vmem>> -> memref<1x61x64x16xf32, #tpu.memory_space<vmem>>
        %dma_start3A_92 = tpu.memref_squeeze %dma_start3A_91 : memref<1x61x64x16xf32, #tpu.memory_space<vmem>> -> memref<61x64x16xf32, #tpu.memory_space<vmem>>
        %dma_start3A_93 = arith.constant 0 : i32
        %dma_start3A_94 = arith.constant 0 : i32
        %dma_start3A_95 = tpu.memref_slice %arg3[%add3A_86, %dma_start3A_93, %dma_start3A_94] : memref<15625x64x16xf32, #tpu.memory_space<hbm>> -> memref<61x64x16xf32, #tpu.memory_space<hbm>>
        %dma_start3A_96 = arith.constant 0 : i32
        %dma_start3A_97 = arith.constant 0 : i32
        %dma_start3A_98 = tpu.memref_slice %arg3[%add3A_86, %dma_start3A_96, %dma_start3A_97] : memref<15625x64x16xf32, #tpu.memory_space<hbm>> -> memref<61x64x16xf32, #tpu.memory_space<hbm>>
        %dma_start3A_99 = arith.constant 0 : i32
        %dma_start3A_100 = arith.constant 0 : i32
        %dma_start3A_101 = arith.constant 0 : i32
        %dma_start3A_102 = tpu.memref_slice %arg4[%dma_start3A_87, %dma_start3A_99, %dma_start3A_100, %dma_start3A_101] : memref<2x61x64x16xf32, #tpu.memory_space<vmem>> -> memref<1x61x64x16xf32, #tpu.memory_space<vmem>>
        %dma_start3A_103 = tpu.memref_squeeze %dma_start3A_102 : memref<1x61x64x16xf32, #tpu.memory_space<vmem>> -> memref<61x64x16xf32, #tpu.memory_space<vmem>>
        tpu.enqueue_dma source(%dma_start3A_103 : memref<61x64x16xf32, #tpu.memory_space<vmem>>) target(%dma_start3A_98 : memref<61x64x16xf32, #tpu.memory_space<hbm>>) target_semaphore(%arg7 : memref<!tpu.dma_semaphore, #tpu.memory_space<semaphore_mem>>)
        %mul3A_104 = arith.constant 61 : i32
        %mul3A_105 = arith.muli %add3A_51, %mul3A_104 : i32
        %add3A_106 = arith.addi %mul3A_2, %mul3A_105 : i32
        %dma_wait3A_107 = arith.constant 0 : i32
        %dma_wait3A_108 = arith.constant 0 : i32
        %dma_wait3A_109 = arith.constant 0 : i32
        %dma_wait3A_110 = arith.constant 0 : i32
        %dma_wait3A_111 = tpu.memref_slice %arg4[%dma_wait3A_107, %dma_wait3A_108, %dma_wait3A_109, %dma_wait3A_110] : memref<2x61x64x16xf32, #tpu.memory_space<vmem>> -> memref<1x61x64x16xf32, #tpu.memory_space<vmem>>
        %dma_wait3A_112 = tpu.memref_squeeze %dma_wait3A_111 : memref<1x61x64x16xf32, #tpu.memory_space<vmem>> -> memref<61x64x16xf32, #tpu.memory_space<vmem>>
        %dma_wait3A_113 = arith.constant 0 : i32
        %dma_wait3A_114 = arith.constant 0 : i32
        %dma_wait3A_115 = tpu.memref_slice %arg3[%add3A_106, %dma_wait3A_113, %dma_wait3A_114] : memref<15625x64x16xf32, #tpu.memory_space<hbm>> -> memref<61x64x16xf32, #tpu.memory_space<hbm>>
        %dma_wait3A_116 = arith.constant 0 : i32
        %dma_wait3A_117 = arith.constant 0 : i32
        %dma_wait3A_118 = tpu.memref_slice %arg3[%add3A_106, %dma_wait3A_116, %dma_wait3A_117] : memref<15625x64x16xf32, #tpu.memory_space<hbm>> -> memref<61x64x16xf32, #tpu.memory_space<hbm>>
        %dma_wait3A_119 = arith.constant 0 : i32
        %dma_wait3A_120 = arith.constant 0 : i32
        %dma_wait3A_121 = arith.constant 0 : i32
        %dma_wait3A_122 = tpu.memref_slice %arg4[%dma_wait3A_107, %dma_wait3A_119, %dma_wait3A_120, %dma_wait3A_121] : memref<2x61x64x16xf32, #tpu.memory_space<vmem>> -> memref<1x61x64x16xf32, #tpu.memory_space<vmem>>
        %dma_wait3A_123 = tpu.memref_squeeze %dma_wait3A_122 : memref<1x61x64x16xf32, #tpu.memory_space<vmem>> -> memref<61x64x16xf32, #tpu.memory_space<vmem>>
        tpu.wait_dma2 semaphore(%arg7 : memref<!tpu.dma_semaphore, #tpu.memory_space<semaphore_mem>>) src(%dma_wait3A_123 : memref<61x64x16xf32, #tpu.memory_space<vmem>>) dst(%dma_wait3A_118 : memref<61x64x16xf32, #tpu.memory_space<hbm>>)
        %add3A_124 = arith.constant 2 : i32
        %add3A_125 = arith.addi %add3A_51, %add3A_124 : i32
        %lt3A_126 = arith.constant 8 : i32
        %lt3A_127 = arith.cmpi slt, %add3A_125, %lt3A_126 : i32
        %convert_element_type3A_128 = arith.extui %lt3A_127 : i1 to i32
        %cond3A_129 = arith.constant 0 : i32
        %cond3A_130 = arith.cmpi ne, %convert_element_type3A_128, %cond3A_129 : i32
        scf.if %cond3A_130 {
          %add3A_131 = arith.constant 2 : i32
          %add3A_132 = arith.addi %add3A_51, %add3A_131 : i32
          %mul3A_133 = arith.constant 61 : i32
          %mul3A_134 = arith.muli %add3A_132, %mul3A_133 : i32
          %add3A_135 = arith.addi %mul3A_2, %mul3A_134 : i32
          %dma_start3A_136 = arith.constant 0 : i32
          %dma_start3A_137 = arith.constant 0 : i32
          %dma_start3A_138 = arith.constant 0 : i32
          %dma_start3A_139 = arith.constant 0 : i32
          %dma_start3A_140 = tpu.memref_slice %arg4[%dma_start3A_136, %dma_start3A_137, %dma_start3A_138, %dma_start3A_139] : memref<2x61x64x16xf32, #tpu.memory_space<vmem>> -> memref<1x61x64x16xf32, #tpu.memory_space<vmem>>
          %dma_start3A_141 = tpu.memref_squeeze %dma_start3A_140 : memref<1x61x64x16xf32, #tpu.memory_space<vmem>> -> memref<61x64x16xf32, #tpu.memory_space<vmem>>
          %dma_start3A_142 = arith.constant 0 : i32
          %dma_start3A_143 = arith.constant 0 : i32
          %dma_start3A_144 = tpu.memref_slice %arg2[%add3A_135, %dma_start3A_142, %dma_start3A_143] : memref<15625x64x16xf32, #tpu.memory_space<hbm>> -> memref<61x64x16xf32, #tpu.memory_space<hbm>>
          %dma_start3A_145 = arith.constant 0 : i32
          %dma_start3A_146 = arith.constant 0 : i32
          %dma_start3A_147 = arith.constant 0 : i32
          %dma_start3A_148 = tpu.memref_slice %arg4[%dma_start3A_136, %dma_start3A_145, %dma_start3A_146, %dma_start3A_147] : memref<2x61x64x16xf32, #tpu.memory_space<vmem>> -> memref<1x61x64x16xf32, #tpu.memory_space<vmem>>
          %dma_start3A_149 = tpu.memref_squeeze %dma_start3A_148 : memref<1x61x64x16xf32, #tpu.memory_space<vmem>> -> memref<61x64x16xf32, #tpu.memory_space<vmem>>
          %dma_start3A_150 = arith.constant 0 : i32
          %dma_start3A_151 = arith.constant 0 : i32
          %dma_start3A_152 = tpu.memref_slice %arg2[%add3A_135, %dma_start3A_150, %dma_start3A_151] : memref<15625x64x16xf32, #tpu.memory_space<hbm>> -> memref<61x64x16xf32, #tpu.memory_space<hbm>>
          tpu.enqueue_dma source(%dma_start3A_152 : memref<61x64x16xf32, #tpu.memory_space<hbm>>) target(%dma_start3A_149 : memref<61x64x16xf32, #tpu.memory_space<vmem>>) target_semaphore(%arg5 : memref<!tpu.dma_semaphore, #tpu.memory_space<semaphore_mem>>)
        } else {
        }
      } else {
      }
      %mul3A_56 = arith.constant 2 : i32
      %mul3A_57 = arith.muli %scan3A_47, %mul3A_56 : i32
      %add3A_58 = arith.constant 1 : i32
      %add3A_59 = arith.addi %mul3A_57, %add3A_58 : i32
      %lt3A_60 = arith.constant 8 : i32
      %lt3A_61 = arith.cmpi slt, %add3A_59, %lt3A_60 : i32
      %convert_element_type3A_62 = arith.extui %lt3A_61 : i1 to i32
      %cond3A_63 = arith.constant 0 : i32
      %cond3A_64 = arith.cmpi ne, %convert_element_type3A_62, %cond3A_63 : i32
      scf.if %cond3A_64 {
        %mul3A_65 = arith.constant 61 : i32
        %mul3A_66 = arith.muli %add3A_59, %mul3A_65 : i32
        %add3A_67 = arith.addi %mul3A_2, %mul3A_66 : i32
        %dma_wait3A = arith.constant 1 : i32
        %dma_wait3A_68 = arith.constant 0 : i32
        %dma_wait3A_69 = arith.constant 0 : i32
        %dma_wait3A_70 = arith.constant 0 : i32
        %dma_wait3A_71 = tpu.memref_slice %arg4[%dma_wait3A, %dma_wait3A_68, %dma_wait3A_69, %dma_wait3A_70] : memref<2x61x64x16xf32, #tpu.memory_space<vmem>> -> memref<1x61x64x16xf32, #tpu.memory_space<vmem>>
        %dma_wait3A_72 = tpu.memref_squeeze %dma_wait3A_71 : memref<1x61x64x16xf32, #tpu.memory_space<vmem>> -> memref<61x64x16xf32, #tpu.memory_space<vmem>>
        %dma_wait3A_73 = arith.constant 0 : i32
        %dma_wait3A_74 = arith.constant 0 : i32
        %dma_wait3A_75 = tpu.memref_slice %arg2[%add3A_67, %dma_wait3A_73, %dma_wait3A_74] : memref<15625x64x16xf32, #tpu.memory_space<hbm>> -> memref<61x64x16xf32, #tpu.memory_space<hbm>>
        %dma_wait3A_76 = arith.constant 0 : i32
        %dma_wait3A_77 = arith.constant 0 : i32
        %dma_wait3A_78 = arith.constant 0 : i32
        %dma_wait3A_79 = tpu.memref_slice %arg4[%dma_wait3A, %dma_wait3A_76, %dma_wait3A_77, %dma_wait3A_78] : memref<2x61x64x16xf32, #tpu.memory_space<vmem>> -> memref<1x61x64x16xf32, #tpu.memory_space<vmem>>
        %dma_wait3A_80 = tpu.memref_squeeze %dma_wait3A_79 : memref<1x61x64x16xf32, #tpu.memory_space<vmem>> -> memref<61x64x16xf32, #tpu.memory_space<vmem>>
        %dma_wait3A_81 = arith.constant 0 : i32
        %dma_wait3A_82 = arith.constant 0 : i32
        %dma_wait3A_83 = tpu.memref_slice %arg2[%add3A_67, %dma_wait3A_81, %dma_wait3A_82] : memref<15625x64x16xf32, #tpu.memory_space<hbm>> -> memref<61x64x16xf32, #tpu.memory_space<hbm>>
        tpu.wait_dma2 semaphore(%arg6 : memref<!tpu.dma_semaphore, #tpu.memory_space<semaphore_mem>>) src(%dma_wait3A_83 : memref<61x64x16xf32, #tpu.memory_space<hbm>>) dst(%dma_wait3A_80 : memref<61x64x16xf32, #tpu.memory_space<vmem>>)
        %mul3A_84 = arith.constant 61 : i32
        %mul3A_85 = arith.muli %add3A_59, %mul3A_84 : i32
        %add3A_86 = arith.addi %mul3A_2, %mul3A_85 : i32
        %dma_start3A_87 = arith.constant 1 : i32
        %dma_start3A_88 = arith.constant 0 : i32
        %dma_start3A_89 = arith.constant 0 : i32
        %dma_start3A_90 = arith.constant 0 : i32
        %dma_start3A_91 = tpu.memref_slice %arg4[%dma_start3A_87, %dma_start3A_88, %dma_start3A_89, %dma_start3A_90] : memref<2x61x64x16xf32, #tpu.memory_space<vmem>> -> memref<1x61x64x16xf32, #tpu.memory_space<vmem>>
        %dma_start3A_92 = tpu.memref_squeeze %dma_start3A_91 : memref<1x61x64x16xf32, #tpu.memory_space<vmem>> -> memref<61x64x16xf32, #tpu.memory_space<vmem>>
        %dma_start3A_93 = arith.constant 0 : i32
        %dma_start3A_94 = arith.constant 0 : i32
        %dma_start3A_95 = tpu.memref_slice %arg3[%add3A_86, %dma_start3A_93, %dma_start3A_94] : memref<15625x64x16xf32, #tpu.memory_space<hbm>> -> memref<61x64x16xf32, #tpu.memory_space<hbm>>
        %dma_start3A_96 = arith.constant 0 : i32
        %dma_start3A_97 = arith.constant 0 : i32
        %dma_start3A_98 = tpu.memref_slice %arg3[%add3A_86, %dma_start3A_96, %dma_start3A_97] : memref<15625x64x16xf32, #tpu.memory_space<hbm>> -> memref<61x64x16xf32, #tpu.memory_space<hbm>>
        %dma_start3A_99 = arith.constant 0 : i32
        %dma_start3A_100 = arith.constant 0 : i32
        %dma_start3A_101 = arith.constant 0 : i32
        %dma_start3A_102 = tpu.memref_slice %arg4[%dma_start3A_87, %dma_start3A_99, %dma_start3A_100, %dma_start3A_101] : memref<2x61x64x16xf32, #tpu.memory_space<vmem>> -> memref<1x61x64x16xf32, #tpu.memory_space<vmem>>
        %dma_start3A_103 = tpu.memref_squeeze %dma_start3A_102 : memref<1x61x64x16xf32, #tpu.memory_space<vmem>> -> memref<61x64x16xf32, #tpu.memory_space<vmem>>
        tpu.enqueue_dma source(%dma_start3A_103 : memref<61x64x16xf32, #tpu.memory_space<vmem>>) target(%dma_start3A_98 : memref<61x64x16xf32, #tpu.memory_space<hbm>>) target_semaphore(%arg8 : memref<!tpu.dma_semaphore, #tpu.memory_space<semaphore_mem>>)
        %mul3A_104 = arith.constant 61 : i32
        %mul3A_105 = arith.muli %add3A_59, %mul3A_104 : i32
        %add3A_106 = arith.addi %mul3A_2, %mul3A_105 : i32
        %dma_wait3A_107 = arith.constant 1 : i32
        %dma_wait3A_108 = arith.constant 0 : i32
        %dma_wait3A_109 = arith.constant 0 : i32
        %dma_wait3A_110 = arith.constant 0 : i32
        %dma_wait3A_111 = tpu.memref_slice %arg4[%dma_wait3A_107, %dma_wait3A_108, %dma_wait3A_109, %dma_wait3A_110] : memref<2x61x64x16xf32, #tpu.memory_space<vmem>> -> memref<1x61x64x16xf32, #tpu.memory_space<vmem>>
        %dma_wait3A_112 = tpu.memref_squeeze %dma_wait3A_111 : memref<1x61x64x16xf32, #tpu.memory_space<vmem>> -> memref<61x64x16xf32, #tpu.memory_space<vmem>>
        %dma_wait3A_113 = arith.constant 0 : i32
        %dma_wait3A_114 = arith.constant 0 : i32
        %dma_wait3A_115 = tpu.memref_slice %arg3[%add3A_106, %dma_wait3A_113, %dma_wait3A_114] : memref<15625x64x16xf32, #tpu.memory_space<hbm>> -> memref<61x64x16xf32, #tpu.memory_space<hbm>>
        %dma_wait3A_116 = arith.constant 0 : i32
        %dma_wait3A_117 = arith.constant 0 : i32
        %dma_wait3A_118 = tpu.memref_slice %arg3[%add3A_106, %dma_wait3A_116, %dma_wait3A_117] : memref<15625x64x16xf32, #tpu.memory_space<hbm>> -> memref<61x64x16xf32, #tpu.memory_space<hbm>>
        %dma_wait3A_119 = arith.constant 0 : i32
        %dma_wait3A_120 = arith.constant 0 : i32
        %dma_wait3A_121 = arith.constant 0 : i32
        %dma_wait3A_122 = tpu.memref_slice %arg4[%dma_wait3A_107, %dma_wait3A_119, %dma_wait3A_120, %dma_wait3A_121] : memref<2x61x64x16xf32, #tpu.memory_space<vmem>> -> memref<1x61x64x16xf32, #tpu.memory_space<vmem>>
        %dma_wait3A_123 = tpu.memref_squeeze %dma_wait3A_122 : memref<1x61x64x16xf32, #tpu.memory_space<vmem>> -> memref<61x64x16xf32, #tpu.memory_space<vmem>>
        tpu.wait_dma2 semaphore(%arg8 : memref<!tpu.dma_semaphore, #tpu.memory_space<semaphore_mem>>) src(%dma_wait3A_123 : memref<61x64x16xf32, #tpu.memory_space<vmem>>) dst(%dma_wait3A_118 : memref<61x64x16xf32, #tpu.memory_space<hbm>>)
        %add3A_124 = arith.constant 2 : i32
        %add3A_125 = arith.addi %add3A_59, %add3A_124 : i32
        %lt3A_126 = arith.constant 8 : i32
        %lt3A_127 = arith.cmpi slt, %add3A_125, %lt3A_126 : i32
        %convert_element_type3A_128 = arith.extui %lt3A_127 : i1 to i32
        %cond3A_129 = arith.constant 0 : i32
        %cond3A_130 = arith.cmpi ne, %convert_element_type3A_128, %cond3A_129 : i32
        scf.if %cond3A_130 {
          %add3A_131 = arith.constant 2 : i32
          %add3A_132 = arith.addi %add3A_59, %add3A_131 : i32
          %mul3A_133 = arith.constant 61 : i32
          %mul3A_134 = arith.muli %add3A_132, %mul3A_133 : i32
          %add3A_135 = arith.addi %mul3A_2, %mul3A_134 : i32
          %dma_start3A_136 = arith.constant 1 : i32
          %dma_start3A_137 = arith.constant 0 : i32
          %dma_start3A_138 = arith.constant 0 : i32
          %dma_start3A_139 = arith.constant 0 : i32
          %dma_start3A_140 = tpu.memref_slice %arg4[%dma_start3A_136, %dma_start3A_137, %dma_start3A_138, %dma_start3A_139] : memref<2x61x64x16xf32, #tpu.memory_space<vmem>> -> memref<1x61x64x16xf32, #tpu.memory_space<vmem>>
          %dma_start3A_141 = tpu.memref_squeeze %dma_start3A_140 : memref<1x61x64x16xf32, #tpu.memory_space<vmem>> -> memref<61x64x16xf32, #tpu.memory_space<vmem>>
          %dma_start3A_142 = arith.constant 0 : i32
          %dma_start3A_143 = arith.constant 0 : i32
          %dma_start3A_144 = tpu.memref_slice %arg2[%add3A_135, %dma_start3A_142, %dma_start3A_143] : memref<15625x64x16xf32, #tpu.memory_space<hbm>> -> memref<61x64x16xf32, #tpu.memory_space<hbm>>
          %dma_start3A_145 = arith.constant 0 : i32
          %dma_start3A_146 = arith.constant 0 : i32
          %dma_start3A_147 = arith.constant 0 : i32
          %dma_start3A_148 = tpu.memref_slice %arg4[%dma_start3A_136, %dma_start3A_145, %dma_start3A_146, %dma_start3A_147] : memref<2x61x64x16xf32, #tpu.memory_space<vmem>> -> memref<1x61x64x16xf32, #tpu.memory_space<vmem>>
          %dma_start3A_149 = tpu.memref_squeeze %dma_start3A_148 : memref<1x61x64x16xf32, #tpu.memory_space<vmem>> -> memref<61x64x16xf32, #tpu.memory_space<vmem>>
          %dma_start3A_150 = arith.constant 0 : i32
          %dma_start3A_151 = arith.constant 0 : i32
          %dma_start3A_152 = tpu.memref_slice %arg2[%add3A_135, %dma_start3A_150, %dma_start3A_151] : memref<15625x64x16xf32, #tpu.memory_space<hbm>> -> memref<61x64x16xf32, #tpu.memory_space<hbm>>
          tpu.enqueue_dma source(%dma_start3A_152 : memref<61x64x16xf32, #tpu.memory_space<hbm>>) target(%dma_start3A_149 : memref<61x64x16xf32, #tpu.memory_space<vmem>>) target_semaphore(%arg6 : memref<!tpu.dma_semaphore, #tpu.memory_space<semaphore_mem>>)
        } else {
        }
      } else {
      }
    }
    %scan3A_44 = arith.constant 4 : i32
    %eq3A = arith.constant 0 : i32
    %eq3A_45 = arith.cmpi eq, %add3A, %eq3A : i32
    %convert_element_type3A = arith.extui %eq3A_45 : i1 to i32
    %cond3A = arith.constant 0 : i32
    %cond3A_46 = arith.cmpi ne, %convert_element_type3A, %cond3A : i32
    scf.if %cond3A_46 {
      %dma_start3A_47 = arith.constant 0 : i32
      %dma_start3A_48 = arith.constant 0 : i32
      %dma_start3A_49 = arith.constant 0 : i32
      %dma_start3A_50 = arith.constant 0 : i32
      %dma_start3A_51 = tpu.memref_slice %arg4[%dma_start3A_47, %dma_start3A_48, %dma_start3A_49, %dma_start3A_50] : memref<2x61x64x16xf32, #tpu.memory_space<vmem>> -> memref<1x9x64x16xf32, #tpu.memory_space<vmem>>
      %dma_start3A_52 = tpu.memref_squeeze %dma_start3A_51 : memref<1x9x64x16xf32, #tpu.memory_space<vmem>> -> memref<9x64x16xf32, #tpu.memory_space<vmem>>
      %dma_start3A_53 = arith.constant 15616 : i32
      %dma_start3A_54 = arith.constant 0 : i32
      %dma_start3A_55 = arith.constant 0 : i32
      %dma_start3A_56 = tpu.memref_slice %arg2[%dma_start3A_53, %dma_start3A_54, %dma_start3A_55] : memref<15625x64x16xf32, #tpu.memory_space<hbm>> -> memref<9x64x16xf32, #tpu.memory_space<hbm>>
      %dma_start3A_57 = arith.constant 0 : i32
      %dma_start3A_58 = arith.constant 0 : i32
      %dma_start3A_59 = arith.constant 0 : i32
      %dma_start3A_60 = tpu.memref_slice %arg4[%dma_start3A_47, %dma_start3A_57, %dma_start3A_58, %dma_start3A_59] : memref<2x61x64x16xf32, #tpu.memory_space<vmem>> -> memref<1x9x64x16xf32, #tpu.memory_space<vmem>>
      %dma_start3A_61 = tpu.memref_squeeze %dma_start3A_60 : memref<1x9x64x16xf32, #tpu.memory_space<vmem>> -> memref<9x64x16xf32, #tpu.memory_space<vmem>>
      %dma_start3A_62 = arith.constant 15616 : i32
      %dma_start3A_63 = arith.constant 0 : i32
      %dma_start3A_64 = arith.constant 0 : i32
      %dma_start3A_65 = tpu.memref_slice %arg2[%dma_start3A_62, %dma_start3A_63, %dma_start3A_64] : memref<15625x64x16xf32, #tpu.memory_space<hbm>> -> memref<9x64x16xf32, #tpu.memory_space<hbm>>
      tpu.enqueue_dma source(%dma_start3A_65 : memref<9x64x16xf32, #tpu.memory_space<hbm>>) target(%dma_start3A_61 : memref<9x64x16xf32, #tpu.memory_space<vmem>>) target_semaphore(%arg5 : memref<!tpu.dma_semaphore, #tpu.memory_space<semaphore_mem>>)
      %dma_wait3A = arith.constant 0 : i32
      %dma_wait3A_66 = arith.constant 0 : i32
      %dma_wait3A_67 = arith.constant 0 : i32
      %dma_wait3A_68 = arith.constant 0 : i32
      %dma_wait3A_69 = tpu.memref_slice %arg4[%dma_wait3A, %dma_wait3A_66, %dma_wait3A_67, %dma_wait3A_68] : memref<2x61x64x16xf32, #tpu.memory_space<vmem>> -> memref<1x9x64x16xf32, #tpu.memory_space<vmem>>
      %dma_wait3A_70 = tpu.memref_squeeze %dma_wait3A_69 : memref<1x9x64x16xf32, #tpu.memory_space<vmem>> -> memref<9x64x16xf32, #tpu.memory_space<vmem>>
      %dma_wait3A_71 = arith.constant 15616 : i32
      %dma_wait3A_72 = arith.constant 0 : i32
      %dma_wait3A_73 = arith.constant 0 : i32
      %dma_wait3A_74 = tpu.memref_slice %arg2[%dma_wait3A_71, %dma_wait3A_72, %dma_wait3A_73] : memref<15625x64x16xf32, #tpu.memory_space<hbm>> -> memref<9x64x16xf32, #tpu.memory_space<hbm>>
      %dma_wait3A_75 = arith.constant 0 : i32
      %dma_wait3A_76 = arith.constant 0 : i32
      %dma_wait3A_77 = arith.constant 0 : i32
      %dma_wait3A_78 = tpu.memref_slice %arg4[%dma_wait3A, %dma_wait3A_75, %dma_wait3A_76, %dma_wait3A_77] : memref<2x61x64x16xf32, #tpu.memory_space<vmem>> -> memref<1x9x64x16xf32, #tpu.memory_space<vmem>>
      %dma_wait3A_79 = tpu.memref_squeeze %dma_wait3A_78 : memref<1x9x64x16xf32, #tpu.memory_space<vmem>> -> memref<9x64x16xf32, #tpu.memory_space<vmem>>
      %dma_wait3A_80 = arith.constant 15616 : i32
      %dma_wait3A_81 = arith.constant 0 : i32
      %dma_wait3A_82 = arith.constant 0 : i32
      %dma_wait3A_83 = tpu.memref_slice %arg2[%dma_wait3A_80, %dma_wait3A_81, %dma_wait3A_82] : memref<15625x64x16xf32, #tpu.memory_space<hbm>> -> memref<9x64x16xf32, #tpu.memory_space<hbm>>
      tpu.wait_dma2 semaphore(%arg5 : memref<!tpu.dma_semaphore, #tpu.memory_space<semaphore_mem>>) src(%dma_wait3A_83 : memref<9x64x16xf32, #tpu.memory_space<hbm>>) dst(%dma_wait3A_79 : memref<9x64x16xf32, #tpu.memory_space<vmem>>)
      %dma_start3A_84 = arith.constant 0 : i32
      %dma_start3A_85 = arith.constant 0 : i32
      %dma_start3A_86 = arith.constant 0 : i32
      %dma_start3A_87 = arith.constant 0 : i32
      %dma_start3A_88 = tpu.memref_slice %arg4[%dma_start3A_84, %dma_start3A_85, %dma_start3A_86, %dma_start3A_87] : memref<2x61x64x16xf32, #tpu.memory_space<vmem>> -> memref<1x9x64x16xf32, #tpu.memory_space<vmem>>
      %dma_start3A_89 = tpu.memref_squeeze %dma_start3A_88 : memref<1x9x64x16xf32, #tpu.memory_space<vmem>> -> memref<9x64x16xf32, #tpu.memory_space<vmem>>
      %dma_start3A_90 = arith.constant 15616 : i32
      %dma_start3A_91 = arith.constant 0 : i32
      %dma_start3A_92 = arith.constant 0 : i32
      %dma_start3A_93 = tpu.memref_slice %arg3[%dma_start3A_90, %dma_start3A_91, %dma_start3A_92] : memref<15625x64x16xf32, #tpu.memory_space<hbm>> -> memref<9x64x16xf32, #tpu.memory_space<hbm>>
      %dma_start3A_94 = arith.constant 15616 : i32
      %dma_start3A_95 = arith.constant 0 : i32
      %dma_start3A_96 = arith.constant 0 : i32
      %dma_start3A_97 = tpu.memref_slice %arg3[%dma_start3A_94, %dma_start3A_95, %dma_start3A_96] : memref<15625x64x16xf32, #tpu.memory_space<hbm>> -> memref<9x64x16xf32, #tpu.memory_space<hbm>>
      %dma_start3A_98 = arith.constant 0 : i32
      %dma_start3A_99 = arith.constant 0 : i32
      %dma_start3A_100 = arith.constant 0 : i32
      %dma_start3A_101 = tpu.memref_slice %arg4[%dma_start3A_84, %dma_start3A_98, %dma_start3A_99, %dma_start3A_100] : memref<2x61x64x16xf32, #tpu.memory_space<vmem>> -> memref<1x9x64x16xf32, #tpu.memory_space<vmem>>
      %dma_start3A_102 = tpu.memref_squeeze %dma_start3A_101 : memref<1x9x64x16xf32, #tpu.memory_space<vmem>> -> memref<9x64x16xf32, #tpu.memory_space<vmem>>
      tpu.enqueue_dma source(%dma_start3A_102 : memref<9x64x16xf32, #tpu.memory_space<vmem>>) target(%dma_start3A_97 : memref<9x64x16xf32, #tpu.memory_space<hbm>>) target_semaphore(%arg7 : memref<!tpu.dma_semaphore, #tpu.memory_space<semaphore_mem>>)
      %dma_wait3A_103 = arith.constant 0 : i32
      %dma_wait3A_104 = arith.constant 0 : i32
      %dma_wait3A_105 = arith.constant 0 : i32
      %dma_wait3A_106 = arith.constant 0 : i32
      %dma_wait3A_107 = tpu.memref_slice %arg4[%dma_wait3A_103, %dma_wait3A_104, %dma_wait3A_105, %dma_wait3A_106] : memref<2x61x64x16xf32, #tpu.memory_space<vmem>> -> memref<1x9x64x16xf32, #tpu.memory_space<vmem>>
      %dma_wait3A_108 = tpu.memref_squeeze %dma_wait3A_107 : memref<1x9x64x16xf32, #tpu.memory_space<vmem>> -> memref<9x64x16xf32, #tpu.memory_space<vmem>>
      %dma_wait3A_109 = arith.constant 15616 : i32
      %dma_wait3A_110 = arith.constant 0 : i32
      %dma_wait3A_111 = arith.constant 0 : i32
      %dma_wait3A_112 = tpu.memref_slice %arg3[%dma_wait3A_109, %dma_wait3A_110, %dma_wait3A_111] : memref<15625x64x16xf32, #tpu.memory_space<hbm>> -> memref<9x64x16xf32, #tpu.memory_space<hbm>>
      %dma_wait3A_113 = arith.constant 15616 : i32
      %dma_wait3A_114 = arith.constant 0 : i32
      %dma_wait3A_115 = arith.constant 0 : i32
      %dma_wait3A_116 = tpu.memref_slice %arg3[%dma_wait3A_113, %dma_wait3A_114, %dma_wait3A_115] : memref<15625x64x16xf32, #tpu.memory_space<hbm>> -> memref<9x64x16xf32, #tpu.memory_space<hbm>>
      %dma_wait3A_117 = arith.constant 0 : i32
      %dma_wait3A_118 = arith.constant 0 : i32
      %dma_wait3A_119 = arith.constant 0 : i32
      %dma_wait3A_120 = tpu.memref_slice %arg4[%dma_wait3A_103, %dma_wait3A_117, %dma_wait3A_118, %dma_wait3A_119] : memref<2x61x64x16xf32, #tpu.memory_space<vmem>> -> memref<1x9x64x16xf32, #tpu.memory_space<vmem>>
      %dma_wait3A_121 = tpu.memref_squeeze %dma_wait3A_120 : memref<1x9x64x16xf32, #tpu.memory_space<vmem>> -> memref<9x64x16xf32, #tpu.memory_space<vmem>>
      tpu.wait_dma2 semaphore(%arg7 : memref<!tpu.dma_semaphore, #tpu.memory_space<semaphore_mem>>) src(%dma_wait3A_121 : memref<9x64x16xf32, #tpu.memory_space<vmem>>) dst(%dma_wait3A_116 : memref<9x64x16xf32, #tpu.memory_space<hbm>>)
    } else {
    }
    return
  }
}

</mosaic_0001>

<sc_bundles>
// kernel: _compact_table.3.cloned.1.call-start
scs
__scs_entry_jumppad:
0x0: {  	(pc) =	sbr.rel $0x88, $3  }
0x1: {  	(tag) =	ssettag $0x0;
	lr =	simm.s32 $0x1  }
0x2: {  	[smem:$0x3FA0] =	sst lr;
	_ =	strace $0xD0000000  }
0x3: {  	_ = 	snop  }
0x4: {  	_ = 	snop  }
0x5: {  	_ = 	snop  }
0x6: {  	_ = 	snop  }
0x7: {  	_ = 	snop  }
__scs_overlays_trampoline_lowered:
0x8: {  	[smem:$0x3FAF] =	sst s0  }
0x9: {  	[smem:$0x3FB0] =	sst s1  }
0xa: {  	[smem:$0x3FB1] =	sst s2  }
0xb: {  	[smem:$0x3FB2] =	sst s3  }
0xc: {  	[smem:$0x3FB3] =	sst s4  }
0xd: {  	[smem:$0x3FB4] =	sst s5  }
0xe: {  	[smem:$0x3FB5] =	sst s6  }
0xf: {  	[smem:$0x3FB6] =	sst s7  }
0x10: {  	[smem:$0x3FB7] =	sst s8  }
0x11: {  	[smem:$0x3FB8] =	sst s9;
	s0 =	simm.s32 @!p0 $0x0  }
0x12: {  	s1 =	sld [smem:$0x3F9E];
	s0 =	simm.s32 @p0 $0x1  }
0x13: {  	[smem:$0x3FB9] =	sst s0;
	s0 =	simm.s32 @!p1 $0x0  }
0x14: {  	s2 =	sld [smem:$0x3F9D];
	s0 =	simm.s32 @p1 $0x1  }
0x15: {  	[smem:$0x3FBA] =	sst s0;
	s0 =	simm.s32 @!p2 $0x0  }
0x16: {  	s3 =	sld [smem:$0x3FDB];
	s0 =	simm.s32 @p2 $0x1  }
0x17: {  	s4 =	simm.s32 $0x1BF5;
	[smem:$0x3FBC] =	sst s0  }
0x18: {  	s0 =	sld [smem:$0x3F9F];
	_ =	swait.ge [sflag:s4], $0x0  }
0x19: {  	s7 =	sld [smem:$0x3FA0]  }
0x1a: {  	s8 =	sadd.s32 $0xFFFFE003, lr  }
0x1b: {  	s9 =	sadd.s32 $0xFFFFFEF7, lr;
	s5 =	simm.s32 $0xFFFFFFFF;
	p2 =	slt.u32 s8, $0xFFFFF086  }
0x1c: {  	p1 =	slt.u32 s9, $0xF7A;
	s5 =	simm.s32 @!p2 $0x0  }
0x1d: {  	s5 =	simm.s32 @p1 $0x1;
	p0 =	seq.s32 s7, s2  }
0x1e: {  	s7 =	smul.u32 @!p0 $0xF7A, s2;
	p2 =	seq.s32 @!p0 s5, $0x0  }
0x1f: {  	s9 =	smul.u32 $0xF7A, s1;
	s8 =	simm.s32 @!p0 $0x1BF5;
	p2 =	por !p2, p0  }
0x20: {  	[sflag:s8] =	ssyncset.s32 @!p0 $0xFFFFF086;
	s6 =	sadd.s32 @!p0 s3, s7;
	s7 =	simm.s32 @!p0 $0x108  }
0x21: {  	s3 =	sadd.s32 s3, s9;
	s6 =	sadd.s32 @!p0 $0x88, s6;
	s7 =	simm.s32 @p2 $0x1082  }
0x22: {  	[simem:s7], [sflag:s8] =	dma.local @!p0 [hbm:s6], $0xF7A  }
0x23: {  	s9 =	sor.u32 $0xD0000000, s2;
	s6 =	simm.s32 $0x108;
	_ =	swait.ge @!p0 [sflag:s8], $0x0  }
0x24: {  	s3 =	sadd.s32 $0x88, s3;
	s6 =	simm.s32 @!p1 $0x1082;
	[sflag:s4] =	ssyncset.s32 $0xFFFFF086  }
0x25: {  	[simem:s6], [sflag:s4] =	dma.local [hbm:s3], $0xF7A  }
0x26: {  	[smem:$0x3FA0] =	sst s1;
	(tag) =	ssettag s2;
	_ =	strace s9  }
0x27: {  	s1 =	sld [smem:$0x3FB0]  }
0x28: {  	s2 =	sld [smem:$0x3FB1]  }
0x29: {  	s4 =	sld [smem:$0x3FB3]  }
0x2a: {  	p0 =	seq.s32 s5, $0x0;
	s5 =	sld [smem:$0x3FB4]  }
0x2b: {  	s6 =	sld [smem:$0x3FB5]  }
0x2c: {  	s7 =	sld [smem:$0x3FB6]  }
0x2d: {  	s3 =	simm.s32 $0x108;
	s8 =	sld [smem:$0x3FB7]  }
0x2e: {  	s3 =	simm.s32 @!p0 $0x1082;
	s9 =	sld [smem:$0x3FB8]  }
0x2f: {  	lr =	sadd.s32 s0, s3;
	s0 =	sld [smem:$0x3FAF]  }
0x30: {  	s3 =	sld [smem:$0x3FB2]  }
0x31: {  	[smem:$0x3FBB] =	sst s10  }
0x32: {  	s10 =	sld [smem:$0x3FB9];
	_ =	sdelay $0x3  }
0x33: {  	p0 =	seq.s32 s10, $0x1;
	s10 =	sld [smem:$0x3FBB];
	_ =	sdelay $0x3  }
0x34: {  	[smem:$0x3FBB] =	sst s10  }
0x35: {  	s10 =	sld [smem:$0x3FBA];
	_ =	sdelay $0x3  }
0x36: {  	p1 =	seq.s32 s10, $0x1;
	s10 =	sld [smem:$0x3FBB];
	_ =	sdelay $0x3  }
0x37: {  	[smem:$0x3FBB] =	sst s10  }
0x38: {  	s10 =	sld [smem:$0x3FBC]  }
0x39: {  	_ = 	snop;
	(pc) =	sbr.ind lr, $3  }
0x3a: {  	_ = 	snop  }
0x3b: {  	_ = 	snop  }
0x3c: {  	p2 =	seq.s32 s10, $0x1;
	s10 =	sld [smem:$0x3FBB]  }
0x3d: {  	_ =	shalt  }
0x3e: {  	_ =	shalt  }
0x3f: {  	_ =	shalt  }
0x40: {  	_ =	shalt  }
0x41: {  	_ =	shalt  }
0x42: {  	_ =	shalt  }
0x43: {  	_ =	shalt  }
0x44: {  	_ =	shalt  }
0x45: {  	_ =	shalt  }
0x46: {  	_ =	shalt  }
0x47: {  	_ =	shalt  }
0x48: {  	_ =	shalt  }
0x49: {  	_ =	shalt  }
0x4a: {  	_ =	shalt  }
0x4b: {  	_ =	shalt  }
0x4c: {  	_ =	shalt  }
0x4d: {  	_ =	shalt  }
0x4e: {  	_ =	shalt  }
0x4f: {  	_ =	shalt  }
0x50: {  	_ =	shalt  }
0x51: {  	_ =	shalt  }
0x52: {  	_ =	shalt  }
0x53: {  	_ =	shalt  }
0x54: {  	_ =	shalt  }
0x55: {  	_ =	shalt  }
0x56: {  	_ =	shalt  }
0x57: {  	_ =	shalt  }
0x58: {  	_ =	shalt  }
0x59: {  	_ =	shalt  }
0x5a: {  	_ =	shalt  }
0x5b: {  	_ =	shalt  }
0x5c: {  	_ =	shalt  }
0x5d: {  	_ =	shalt  }
0x5e: {  	_ =	shalt  }
0x5f: {  	_ =	shalt  }
0x60: {  	_ =	shalt  }
0x61: {  	_ =	shalt  }
0x62: {  	_ =	shalt  }
0x63: {  	_ =	shalt  }
0x64: {  	_ =	shalt  }
0x65: {  	_ =	shalt  }
0x66: {  	_ =	shalt  }
0x67: {  	_ =	shalt  }
0x68: {  	_ =	shalt  }
0x69: {  	_ =	shalt  }
0x6a: {  	_ =	shalt  }
0x6b: {  	_ =	shalt  }
0x6c: {  	_ =	shalt  }
0x6d: {  	_ =	shalt  }
0x6e: {  	_ =	shalt  }
0x6f: {  	_ =	shalt  }
0x70: {  	_ =	shalt  }
0x71: {  	_ =	shalt  }
0x72: {  	_ =	shalt  }
0x73: {  	_ =	shalt  }
0x74: {  	_ =	shalt  }
0x75: {  	_ =	shalt  }
0x76: {  	_ =	shalt  }
0x77: {  	_ =	shalt  }
0x78: {  	_ =	shalt  }
0x79: {  	_ =	shalt  }
0x7a: {  	_ =	shalt  }
0x7b: {  	_ =	shalt  }
0x7c: {  	_ =	shalt  }
0x7d: {  	_ =	shalt  }
0x7e: {  	_ =	shalt  }
0x7f: {  	_ =	shalt  }
0x80: {  	_ =	shalt  }
0x81: {  	_ =	shalt  }
0x82: {  	_ =	shalt  }
0x83: {  	_ =	shalt  }
0x84: {  	_ =	shalt  }
0x85: {  	_ =	shalt  }
0x86: {  	_ =	shalt  }
0x87: {  	_ =	shalt  }
.Lfunc_end0:
.L_simem_size_0:
called_computation.1_lowered:
.L_overlay_start_0:
0x88: {  	s2 =	sld [smem:$0x3FD9]  }
0x89: {  	s3 =	sld [smem:$0x3FFE];
	_ =	sdelay $0x1  }
0x8a: {  	s1 =	srdreg.scid  }
0x8b: {  	s0 =	sand.u32 $0x1, s1  }
0x8c: {  	s17 =	sshll.u32 s0, $0xA;
	s2 =	sadd.s32 s3, s2  }
0x8d: {  	s2 =	sadd.s32 s2, s17  }
0x8e: {  	[smem:$0x3FC7] =	sst s2  }
0x8f: {  	_ = 	snop  }
0x90: {  	s2 =	sld [smem:$0x3FD0];
	(tm) =	ssettm $0x1  }
0x91: {  	s18 =	sld [smem:$0x3FFB];
	_ =	sdelay $0x3  }
0x92: {  	_ =	strace s18  }
0x93: {  	s3 =	sld [smem:$0x3FFC];
	_ =	sdelay $0x3  }
0x94: {  	_ =	strace s3  }
0x95: {  	s3 =	sld [smem:$0x3FFD];
	_ =	sdelay $0x3  }
0x96: {  	_ =	strace s3  }
0x97: {  	_ =	strace $0x8FFFFFFF  }
0x98: {  	s19 =	sld [smem:$0x3FDB];
	_ =	sdelay $0x1  }
0x99: {  	s4 =	simm.s32 $_scs_section_size  }
0x9a: {  	s5 =	simm.s32 $_size__tile_overlayer_lowered;
	s6 =	simm.s32 $_tile_overlayer_lowered  }
0x9b: {  	s22 =	simm.s32 $0x1BFF;
	s21 =	sshll.u32 s6, $0x1;
	s3 =	sadd.s32 s4, s19  }
0x9c: {  	s7 =	simm.s32 $0x0;
	s20 =	sshll.u32 s5, $0x1;
	s5 =	sadd.s32 s21, s3  }
0x9d: {  	[timem:s7], [sflag:s22] =	dma.local [hbm:s5], s20  }
0x9e: {  	_ =	swait.ge [sflag:s22], s20  }
0x9f: {  	s4 =	ssub.s32 $0x0, s20;
	[sflag:s22] =	ssyncset.done $0x0  }
0xa0: {  	[sflag:s22] =	ssyncadd.s32 s4;
	_ =	sdelay $0x1  }
0xa1: {  	s23 =	simm.s32 $0x1B8B  }
0xa2: {  	_ =	swait.ge [sflag:s23], $0x1  }
0xa3: {  	[sflag:s23] =	ssyncset.done $0x0  }
0xa4: {  	s25 =	simm.s32 $0x1B8E;
	s24 =	sld [smem:$0x3FFE];
	[sflag:s23] =	ssyncadd.s32 $0xFFFFFFFF  }
0xa5: {  	s26 =	simm.s32 $execute0_lowered;
	[smem:$0x3FD2] =	sst s25  }
0xa6: {  	s5 =	sshll.u32 s26, $0x1;
	_ =	strace $0x80000046;
	[dreg:$0x1] =	wrdreg $0xFFFFFFFF  }
0xa7: {  	s28 =	simm.s32 $_size_execute0_lowered;
	s3 =	sadd.s32 s3, s5;
	[dreg:$0x0] =	wrdreg $0x0  }
0xa8: {  	s5 =	sshll.u32 s28, $0x1;
	[dreg:$0x2] =	wrdreg s3  }
0xa9: {  	[dreg:$0x3] =	wrdreg s5  }
0xaa: {  	[dreg:$0x4] =	wrdreg $0xC0  }
0xab: {  	_ =	task [dreg:s7], $0x5FFFF  }
0xac: {  	[dreg:$0x1] =	wrdreg $0xFFFFFFFF  }
0xad: {  	[dreg:$0x0] =	wrdreg $0x60  }
0xae: {  	[dreg:$0x2] =	wrdreg s2  }
0xaf: {  	[dreg:$0x3] =	wrdreg s24  }
0xb0: {  	[dreg:$0x4] =	wrdreg $0x9  }
0xb1: {  	_ =	task.clear_ibuf [dreg:s7], $0x5FFFF;
	_ =	strace $0x90000046  }
0xb2: {  	s29 =	simm.s32 $0x9;
	_ =	strace $0x80000048  }
0xb3: {  	_ =	swait.ge [sflag:s29], $0x1  }
0xb4: {  	[sflag:s29] =	ssyncadd.s32 $0xFFFFFFFF  }
0xb5: {  	_ =	strace $0x90000048  }
0xb6: {  	_ =	sfence  }
0xb7: {  	s30 =	sld [smem:$0x0];
	_ =	sdelay $0x2  }
0xb8: {  	s31 =	sshll.u32 s1, $0xD;
	s1 =	sshrl.u32 s1, $0x2  }
0xb9: {  	s3 =	sand.u32 $0x4000, s31;
	s1 =	sadd.s32 s1, s30  }
0xba: {  	s0 =	sor.u32 s3, s0;
	s1 =	sshll.u32 s1, $0x11  }
0xbb: {  	s0 =	sor.u32 s1, s0  }
0xbc: {  	s0 =	sadd.s32 $0x8F2B, s0  }
0xbd: {  	[sflag:s0] =	ssyncadd.remote.s32 $0x1  }
0xbe: {  	_ =	sfence.sel $0xFFFF  }
0xbf: {  	[dreg:$0x0] =	wrdreg $0xFFFFFFFF;
	(pc) =	sbr.abs _section_cstart, $3  }
0xc0: {  	[dreg:$0x1] =	wrdreg $0xFFFFFFFF  }
0xc1: {  	_ =	task.clear_ibuf [dreg:s7], $0x2FFFF;
	_ =	strace $0x9FFFFFFF  }
0xc2: {  	(tm) =	ssettm $0x7FFFFFFF  }
0xc3: {  	_ =	shalt  }
tec
execute0_lowered:
.L_overlay_start_1:
0x0: {  	(tag) =	ssettag $0x1  }
0x1: {  	s1 =	srdreg.scid;
	s0 =	stileid.u32  }
0x2: {  	s26 =	sand.u32 $0x1, s1;
	s31 =	sshll.u32 s0, $0x1  }
0x3: {  	s24 =	rddreg [dreg:$0x0];
	s25 =	sor.u32 s26, s31  }
0x4: {  	s28 =	rddreg [dreg:$0x1];
	s3 =	smul.u32 $0x7A000, s25  }
0x5: {  	s2 =	simm.s32 $0x0;
	s1 =	rddreg [dreg:$0x2];
	s21 =	smul.u32 $0xF400, s25  }
0x6: {  	[smem:$0x7FF] =	sst s2;
	s4 =	sshrl.u32 s3, $0x3  }
0x7: {  	_ =	strace $0x80000047;
	s3 =	sadd.s32 s24, s21;
	s4 =	sadd.s32 s24, s4  }
0x8: {  	[tilespmem:s2], [sflag:$0x1] =	stream.linear.gather [hbm4b:s3+s2], $0xF400, $0x38;
	[tilespmem:$0x1E800] =	vst v63  }
0x9: {  	s5 =	simm.s32 $0xF400;
	s6 =	simm.s32 $0x1;
	s4 =	sadd.s32 $0x1E80, s4  }
0xa: {  	[tilespmem:s5], [sflag:$0x2] =	stream.linear.gather [hbm4b:s4+s2], $0xF400, $0x38;
	[tilespmem:$0x1E800] =	vst v63  }
0xb: {  	_ =	swait.ge [sflag:s6], $0xF400  }
0xc: {  	s23 =	sadd.s32 $0x800, s28;
	[sflag:s6] =	ssyncset.done $0x0  }
0xd: {  	s8 =	simm.s32 $0x3;
	s7 =	sadd.s32 s23, s21;
	[sflag:s6] =	ssyncadd.s32 $0xFFFF0C00  }
0xe: {  	[hbm4b:s7+s2] =	stream.linear.scatter [tilespmem:s2], [sflag:$0x3], $0xF400, $0x38;
	[tilespmem:$0x1E800] =	vst v63  }
0xf: {  	_ =	swait.ge [sflag:s8], $0xF400  }
0x10: {  	s14 =	sadd.s32 $0x3D00, s21;
	[sflag:s8] =	ssyncset.done $0x0  }
0x11: {  	s10 =	simm.s32 $0x2;
	s9 =	sadd.s32 s24, s14;
	[sflag:s8] =	ssyncadd.s32 $0xFFFF0C00  }
0x12: {  	[tilespmem:s2], [sflag:$0x1] =	stream.linear.gather [hbm4b:s9+s2], $0xF400, $0x38;
	[tilespmem:$0x1E800] =	vst v63  }
0x13: {  	_ =	swait.ge [sflag:s10], $0xF400  }
0x14: {  	[sflag:s10] =	ssyncset.done $0x0  }
0x15: {  	s12 =	simm.s32 $0x4;
	s11 =	sadd.s32 $0x1E80, s7;
	[sflag:s10] =	ssyncadd.s32 $0xFFFF0C00  }
0x16: {  	[hbm4b:s11+s2] =	stream.linear.scatter [tilespmem:s5], [sflag:$0x4], $0xF400, $0x38;
	[tilespmem:$0x1E800] =	vst v63  }
0x17: {  	_ =	swait.ge [sflag:s12], $0xF400  }
0x18: {  	s16 =	sadd.s32 $0x5B80, s21;
	[sflag:s12] =	ssyncset.done $0x0  }
0x19: {  	s13 =	sadd.s32 s24, s16;
	[sflag:s12] =	ssyncadd.s32 $0xFFFF0C00  }
0x1a: {  	[tilespmem:s5], [sflag:$0x2] =	stream.linear.gather [hbm4b:s13+s2], $0xF400, $0x38;
	[tilespmem:$0x1E800] =	vst v63  }
0x1b: {  	_ =	swait.ge [sflag:s6], $0xF400  }
0x1c: {  	[sflag:s6] =	ssyncset.done $0x0  }
0x1d: {  	s14 =	sadd.s32 s23, s14;
	[sflag:s6] =	ssyncadd.s32 $0xFFFF0C00  }
0x1e: {  	[hbm4b:s14+s2] =	stream.linear.scatter [tilespmem:s2], [sflag:$0x3], $0xF400, $0x38;
	[tilespmem:$0x1E800] =	vst v63  }
0x1f: {  	_ =	swait.ge [sflag:s8], $0xF400  }
0x20: {  	s18 =	sadd.s32 $0x7A00, s21;
	[sflag:s8] =	ssyncset.done $0x0  }
0x21: {  	s15 =	sadd.s32 s24, s18;
	[sflag:s8] =	ssyncadd.s32 $0xFFFF0C00  }
0x22: {  	[tilespmem:s2], [sflag:$0x1] =	stream.linear.gather [hbm4b:s15+s2], $0xF400, $0x38;
	[tilespmem:$0x1E800] =	vst v63  }
0x23: {  	_ =	swait.ge [sflag:s10], $0xF400  }
0x24: {  	[sflag:s10] =	ssyncset.done $0x0  }
0x25: {  	s16 =	sadd.s32 s23, s16;
	[sflag:s10] =	ssyncadd.s32 $0xFFFF0C00  }
0x26: {  	[hbm4b:s16+s2] =	stream.linear.scatter [tilespmem:s5], [sflag:$0x4], $0xF400, $0x38;
	[tilespmem:$0x1E800] =	vst v63  }
0x27: {  	_ =	swait.ge [sflag:s12], $0xF400  }
0x28: {  	s20 =	sadd.s32 $0x9880, s21;
	[sflag:s12] =	ssyncset.done $0x0  }
0x29: {  	s17 =	sadd.s32 s24, s20;
	[sflag:s12] =	ssyncadd.s32 $0xFFFF0C00  }
0x2a: {  	[tilespmem:s5], [sflag:$0x2] =	stream.linear.gather [hbm4b:s17+s2], $0xF400, $0x38;
	[tilespmem:$0x1E800] =	vst v63  }
0x2b: {  	_ =	swait.ge [sflag:s6], $0xF400  }
0x2c: {  	[sflag:s6] =	ssyncset.done $0x0  }
0x2d: {  	s18 =	sadd.s32 s23, s18;
	[sflag:s6] =	ssyncadd.s32 $0xFFFF0C00  }
0x2e: {  	[hbm4b:s18+s2] =	stream.linear.scatter [tilespmem:s2], [sflag:$0x3], $0xF400, $0x38;
	[tilespmem:$0x1E800] =	vst v63  }
0x2f: {  	_ =	swait.ge [sflag:s8], $0xF400  }
0x30: {  	s22 =	sadd.s32 $0xB700, s21;
	[sflag:s8] =	ssyncset.done $0x0  }
0x31: {  	s19 =	sadd.s32 s24, s22;
	[sflag:s8] =	ssyncadd.s32 $0xFFFF0C00  }
0x32: {  	[tilespmem:s2], [sflag:$0x1] =	stream.linear.gather [hbm4b:s19+s2], $0xF400, $0x38;
	[tilespmem:$0x1E800] =	vst v63  }
0x33: {  	_ =	swait.ge [sflag:s10], $0xF400  }
0x34: {  	[sflag:s10] =	ssyncset.done $0x0  }
0x35: {  	s20 =	sadd.s32 s23, s20;
	[sflag:s10] =	ssyncadd.s32 $0xFFFF0C00  }
0x36: {  	[hbm4b:s20+s2] =	stream.linear.scatter [tilespmem:s5], [sflag:$0x4], $0xF400, $0x38;
	[tilespmem:$0x1E800] =	vst v63  }
0x37: {  	_ =	swait.ge [sflag:s12], $0xF400  }
0x38: {  	s29 =	sadd.s32 $0xD580, s21;
	[sflag:s12] =	ssyncset.done $0x0  }
0x39: {  	s21 =	sadd.s32 s24, s29;
	[sflag:s12] =	ssyncadd.s32 $0xFFFF0C00  }
0x3a: {  	[tilespmem:s5], [sflag:$0x2] =	stream.linear.gather [hbm4b:s21+s2], $0xF400, $0x38;
	[tilespmem:$0x1E800] =	vst v63  }
0x3b: {  	_ =	swait.ge [sflag:s6], $0xF400  }
0x3c: {  	[sflag:s6] =	ssyncset.done $0x0  }
0x3d: {  	s22 =	sadd.s32 s23, s22;
	[sflag:s6] =	ssyncadd.s32 $0xFFFF0C00  }
0x3e: {  	[hbm4b:s22+s2] =	stream.linear.scatter [tilespmem:s2], [sflag:$0x3], $0xF400, $0x38;
	[tilespmem:$0x1E800] =	vst v63  }
0x3f: {  	_ =	swait.ge [sflag:s8], $0xF400  }
0x40: {  	[sflag:s8] =	ssyncset.done $0x0  }
0x41: {  	[sflag:s8] =	ssyncadd.s32 $0xFFFF0C00  }
0x42: {  	_ =	swait.ge [sflag:s10], $0xF400  }
0x43: {  	s23 =	sadd.s32 s23, s29;
	s29 =	ssub.s32 $0x2, s26;
	[sflag:s10] =	ssyncset.done $0x0  }
0x44: {  	p0 =	sne.s32 s25, $0x0;
	s30 =	sshrl.u32 s29, $0x1;
	[sflag:s10] =	ssyncadd.s32 $0xFFFF0C00  }
0x45: {  	[hbm4b:s23+s2] =	stream.linear.scatter [tilespmem:s5], [sflag:$0x4], $0xF400, $0x38;
	[tilespmem:$0x1E800] =	vst v63  }
0x46: {  	s25 =	simm.s32 @!p0 $0x0;
	s29 =	ssub.s32 s29, s30;
	_ =	swait.ge [sflag:s12], $0xF400  }
0x47: {  	s24 =	sadd.s32 $0x1E8000, s24;
	s29 =	smax.u32 s29, $0x1;
	[sflag:s12] =	ssyncset.done $0x0  }
0x48: {  	s26 =	simm.s32 @!p0 $0x1;
	s30 =	sadd.s32 $0xFFFFFFFF, s29;
	[sflag:s12] =	ssyncadd.s32 $0xFFFF0C00  }
0x49: {  	[tilespmem:s25], [sflag:$0x1] =	stream.linear.gather @!p0 [hbm4b:s24+s25], $0x2400, $0x38;
	[tilespmem:$0x1E800] =	vst v63  }
0x4a: {  	p1 =	sne.s32 s30, $0x0;
	_ =	swait.ge @!p0 [sflag:s26], $0x2400  }
.Ltmp0:
0x4b: {  	[sflag:s26] =	ssyncset.done @!p0 $0x0;
	(pc) =	sbr.rel @!p1 .LBB2_2-.Ltmp0, $4  }
0x4c: {  	s28 =	sadd.s32 $0x1E8800, s28;
	s29 =	simm.s32 @!p0 $0x3;
	[sflag:s26] =	ssyncadd.s32 @!p0 $0xFFFFDC00  }
0x4d: {  	[hbm4b:s28+s25] =	stream.linear.scatter @!p0 [tilespmem:s25], [sflag:$0x3], $0x2400, $0x38;
	[tilespmem:$0x1E800] =	vst v63  }
0x4e: {  	_ =	swait.ge @!p0 [sflag:s29], $0x2400  }
0x4f: {  	[sflag:s29] =	ssyncset.done @!p0 $0x0  }
.LBB2_1:
0x50: {  	s30 =	sadd.s32 $0xFFFFFFFF, s30;
	[sflag:s29] =	ssyncadd.s32 @!p0 $0xFFFFDC00  }
0x51: {  	[tilespmem:s2], [sflag:$0x1] =	stream.linear.gather [hbm4b:s3+s2], $0xF400, $0x38;
	[tilespmem:$0x1E800] =	vst v63  }
0x52: {  	p1 =	sne.s32 s30, $0x0  }
0x53: {  	[tilespmem:s5], [sflag:$0x2] =	stream.linear.gather [hbm4b:s4+s2], $0xF400, $0x38;
	[tilespmem:$0x1E800] =	vst v63  }
0x54: {  	_ =	swait.ge [sflag:s6], $0xF400  }
0x55: {  	[sflag:s6] =	ssyncset.done $0x0  }
0x56: {  	[sflag:s6] =	ssyncadd.s32 $0xFFFF0C00  }
0x57: {  	[hbm4b:s7+s2] =	stream.linear.scatter [tilespmem:s2], [sflag:$0x3], $0xF400, $0x38;
	[tilespmem:$0x1E800] =	vst v63  }
0x58: {  	_ =	swait.ge [sflag:s8], $0xF400  }
0x59: {  	[sflag:s8] =	ssyncset.done $0x0  }
0x5a: {  	[sflag:s8] =	ssyncadd.s32 $0xFFFF0C00  }
0x5b: {  	[tilespmem:s2], [sflag:$0x1] =	stream.linear.gather [hbm4b:s9+s2], $0xF400, $0x38;
	[tilespmem:$0x1E800] =	vst v63  }
0x5c: {  	_ =	swait.ge [sflag:s10], $0xF400  }
0x5d: {  	[sflag:s10] =	ssyncset.done $0x0  }
0x5e: {  	[sflag:s10] =	ssyncadd.s32 $0xFFFF0C00  }
0x5f: {  	[hbm4b:s11+s2] =	stream.linear.scatter [tilespmem:s5], [sflag:$0x4], $0xF400, $0x38;
	[tilespmem:$0x1E800] =	vst v63  }
0x60: {  	_ =	swait.ge [sflag:s12], $0xF400  }
0x61: {  	[sflag:s12] =	ssyncset.done $0x0  }
0x62: {  	[sflag:s12] =	ssyncadd.s32 $0xFFFF0C00  }
0x63: {  	[tilespmem:s5], [sflag:$0x2] =	stream.linear.gather [hbm4b:s13+s2], $0xF400, $0x38;
	[tilespmem:$0x1E800] =	vst v63  }
0x64: {  	_ =	swait.ge [sflag:s6], $0xF400  }
0x65: {  	[sflag:s6] =	ssyncset.done $0x0  }
0x66: {  	[sflag:s6] =	ssyncadd.s32 $0xFFFF0C00  }
0x67: {  	[hbm4b:s14+s2] =	stream.linear.scatter [tilespmem:s2], [sflag:$0x3], $0xF400, $0x38;
	[tilespmem:$0x1E800] =	vst v63  }
0x68: {  	_ =	swait.ge [sflag:s8], $0xF400  }
0x69: {  	[sflag:s8] =	ssyncset.done $0x0  }
0x6a: {  	[sflag:s8] =	ssyncadd.s32 $0xFFFF0C00  }
0x6b: {  	[tilespmem:s2], [sflag:$0x1] =	stream.linear.gather [hbm4b:s15+s2], $0xF400, $0x38;
	[tilespmem:$0x1E800] =	vst v63  }
0x6c: {  	_ =	swait.ge [sflag:s10], $0xF400  }
0x6d: {  	[sflag:s10] =	ssyncset.done $0x0  }
0x6e: {  	[sflag:s10] =	ssyncadd.s32 $0xFFFF0C00  }
0x6f: {  	[hbm4b:s16+s2] =	stream.linear.scatter [tilespmem:s5], [sflag:$0x4], $0xF400, $0x38;
	[tilespmem:$0x1E800] =	vst v63  }
0x70: {  	_ =	swait.ge [sflag:s12], $0xF400  }
0x71: {  	[sflag:s12] =	ssyncset.done $0x0  }
0x72: {  	[sflag:s12] =	ssyncadd.s32 $0xFFFF0C00  }
0x73: {  	[tilespmem:s5], [sflag:$0x2] =	stream.linear.gather [hbm4b:s17+s2], $0xF400, $0x38;
	[tilespmem:$0x1E800] =	vst v63  }
0x74: {  	_ =	swait.ge [sflag:s6], $0xF400  }
0x75: {  	[sflag:s6] =	ssyncset.done $0x0  }
0x76: {  	[sflag:s6] =	ssyncadd.s32 $0xFFFF0C00  }
0x77: {  	[hbm4b:s18+s2] =	stream.linear.scatter [tilespmem:s2], [sflag:$0x3], $0xF400, $0x38;
	[tilespmem:$0x1E800] =	vst v63  }
0x78: {  	_ =	swait.ge [sflag:s8], $0xF400  }
0x79: {  	[sflag:s8] =	ssyncset.done $0x0  }
0x7a: {  	[sflag:s8] =	ssyncadd.s32 $0xFFFF0C00  }
0x7b: {  	[tilespmem:s2], [sflag:$0x1] =	stream.linear.gather [hbm4b:s19+s2], $0xF400, $0x38;
	[tilespmem:$0x1E800] =	vst v63  }
0x7c: {  	_ =	swait.ge [sflag:s10], $0xF400  }
0x7d: {  	[sflag:s10] =	ssyncset.done $0x0  }
0x7e: {  	[sflag:s10] =	ssyncadd.s32 $0xFFFF0C00  }
0x7f: {  	[hbm4b:s20+s2] =	stream.linear.scatter [tilespmem:s5], [sflag:$0x4], $0xF400, $0x38;
	[tilespmem:$0x1E800] =	vst v63  }
0x80: {  	_ =	swait.ge [sflag:s12], $0xF400  }
0x81: {  	[sflag:s12] =	ssyncset.done $0x0  }
0x82: {  	[sflag:s12] =	ssyncadd.s32 $0xFFFF0C00  }
0x83: {  	[tilespmem:s5], [sflag:$0x2] =	stream.linear.gather [hbm4b:s21+s2], $0xF400, $0x38;
	[tilespmem:$0x1E800] =	vst v63  }
0x84: {  	_ =	swait.ge [sflag:s6], $0xF400  }
0x85: {  	[sflag:s6] =	ssyncset.done $0x0  }
0x86: {  	[sflag:s6] =	ssyncadd.s32 $0xFFFF0C00  }
0x87: {  	[hbm4b:s22+s2] =	stream.linear.scatter [tilespmem:s2], [sflag:$0x3], $0xF400, $0x38;
	[tilespmem:$0x1E800] =	vst v63  }
0x88: {  	_ =	swait.ge [sflag:s8], $0xF400  }
0x89: {  	[sflag:s8] =	ssyncset.done $0x0  }
0x8a: {  	[sflag:s8] =	ssyncadd.s32 $0xFFFF0C00  }
0x8b: {  	_ =	swait.ge [sflag:s10], $0xF400  }
0x8c: {  	[sflag:s10] =	ssyncset.done $0x0  }
0x8d: {  	[sflag:s10] =	ssyncadd.s32 $0xFFFF0C00  }
0x8e: {  	[hbm4b:s23+s2] =	stream.linear.scatter [tilespmem:s5], [sflag:$0x4], $0xF400, $0x38;
	[tilespmem:$0x1E800] =	vst v63  }
0x8f: {  	_ =	swait.ge [sflag:s12], $0xF400  }
0x90: {  	[sflag:s12] =	ssyncset.done $0x0  }
0x91: {  	[sflag:s12] =	ssyncadd.s32 $0xFFFF0C00  }
0x92: {  	[tilespmem:s25], [sflag:$0x1] =	stream.linear.gather @!p0 [hbm4b:s24+s25], $0x2400, $0x38;
	[tilespmem:$0x1E800] =	vst v63  }
0x93: {  	_ =	swait.ge @!p0 [sflag:s26], $0x2400  }
.Ltmp1:
0x94: {  	[sflag:s26] =	ssyncset.done @!p0 $0x0;
	(pc) =	sbr.rel @p1 .LBB2_1-.Ltmp1, $4  }
0x95: {  	[sflag:s26] =	ssyncadd.s32 @!p0 $0xFFFFDC00  }
0x96: {  	[hbm4b:s28+s25] =	stream.linear.scatter @!p0 [tilespmem:s25], [sflag:$0x3], $0x2400, $0x38;
	[tilespmem:$0x1E800] =	vst v63  }
0x97: {  	_ =	swait.ge @!p0 [sflag:s29], $0x2400  }
0x98: {  	[sflag:s29] =	ssyncset.done @!p0 $0x0  }
.LBB2_2:
0x99: {  	[sflag:s29] =	ssyncadd.s32 @!p0 $0xFFFFDC00  }
0x9a: {  	_ =	sfence.sel $0x180000  }
0x9b: {  	[bflag:$0x0] =	sbarrier.arrive $0xFFFF  }
0x9c: {  	p0 =	sne.s32 s0, $0x0;
	_ =	strace $0x90000047  }
0x9d: {  	s0 =	sadd.s32 @!p0 $0x100000, s1;
	[bflag:$0x2] =	sbarrier.arrive $0xFFFF  }
0x9e: {  	[sflag:s0] =	ssyncadd.tile.s32 @!p0 $0x1;
	_ =	shalt  }
.Lfunc_end2:
_tile_overlayer_lowered:
.L_overlay_start_2:
0x9f: {  	(tag) =	ssettag $0x2  }
0xa0: {  	s0 =	rddreg [dreg:$0x0];
	s2 =	stileid.u32  }
0xa1: {  	s1 =	rddreg [dreg:$0x1];
	p0 =	sne.s32 s2, $0x0  }
0xa2: {  	s3 =	rddreg [dreg:$0x2];
	[bflag:$0x3] =	sbarrier.arrive $0xFFFF;
	s2 =	simm.s32 @!p0 $0x1C05  }
0xa3: {  	[timem:s3], [sflag:s2] =	dma.local @!p0 [hbm:s0], s1  }
0xa4: {  	s0 =	simm.s32 @!p0 $0x5  }
0xa5: {  	_ =	swait.ge @!p0 [sflag:s0], s1  }
0xa6: {  	s1 =	ssub.s32 @!p0 $0x0, s1;
	[sflag:s0] =	ssyncset.done @!p0 $0x0  }
0xa7: {  	[sflag:s0] =	ssyncadd.s32 @!p0 s1  }
0xa8: {  	[bflag:$0x3] =	sbarrier.arrive $0xFFFF  }
0xa9: {  	_ =	shalt  }

// kernel: sparse-core-data-format-call.cloned.1.call-start
scs
called_computation_lowered:
.L_overlay_start_0:
0x0: {  	s2 =	sld [smem:$0x3FD9]  }
0x1: {  	s3 =	sld [smem:$0x3FFE];
	_ =	sdelay $0x1  }
0x2: {  	s1 =	srdreg.scid  }
0x3: {  	s0 =	sand.u32 $0x1, s1  }
0x4: {  	s18 =	sshll.u32 s0, $0xA;
	s2 =	sadd.s32 s3, s2  }
0x5: {  	s2 =	sadd.s32 s2, s18  }
0x6: {  	[smem:$0x3FC7] =	sst s2  }
0x7: {  	_ = 	snop  }
0x8: {  	s2 =	sld [smem:$0x3FD0];
	(tm) =	ssettm $0x1  }
0x9: {  	s19 =	sld [smem:$0x3FFB];
	_ =	sdelay $0x3  }
0xa: {  	_ =	strace s19  }
0xb: {  	s3 =	sld [smem:$0x3FFC];
	_ =	sdelay $0x3  }
0xc: {  	_ =	strace s3  }
0xd: {  	s3 =	sld [smem:$0x3FFD];
	_ =	sdelay $0x3  }
0xe: {  	_ =	strace s3  }
0xf: {  	_ =	strace $0x8FFFFFFF  }
0x10: {  	s20 =	sld [smem:$0x3FDB];
	_ =	sdelay $0x1  }
0x11: {  	s4 =	simm.s32 $_scs_section_size  }
0x12: {  	s5 =	simm.s32 $_size__tile_overlayer_lowered;
	s6 =	simm.s32 $_tile_overlayer_lowered  }
0x13: {  	s23 =	simm.s32 $0x1BFF;
	s22 =	sshll.u32 s6, $0x1;
	s3 =	sadd.s32 s4, s20  }
0x14: {  	s7 =	simm.s32 $0x0;
	s21 =	sshll.u32 s5, $0x1;
	s5 =	sadd.s32 s22, s3  }
0x15: {  	[timem:s7], [sflag:s23] =	dma.local [hbm:s5], s21  }
0x16: {  	_ =	swait.ge [sflag:s23], s21  }
0x17: {  	s4 =	ssub.s32 $0x0, s21;
	[sflag:s23] =	ssyncset.done $0x0  }
0x18: {  	[sflag:s23] =	ssyncadd.s32 s4;
	_ =	sdelay $0x1  }
0x19: {  	s24 =	simm.s32 $0x1B8B  }
0x1a: {  	_ =	swait.ge [sflag:s24], $0x1  }
0x1b: {  	[sflag:s24] =	ssyncset.done $0x0  }
0x1c: {  	s26 =	simm.s32 $0x1B8E;
	s25 =	sld [smem:$0x3FFE];
	[sflag:s24] =	ssyncadd.s32 $0xFFFFFFFF  }
0x1d: {  	s27 =	simm.s32 $execute0_lowered;
	[smem:$0x3FD2] =	sst s26  }
0x1e: {  	s5 =	sshll.u32 s27, $0x1;
	_ =	strace $0x80000049;
	[dreg:$0x1] =	wrdreg $0xFFFFFFFF  }
0x1f: {  	s28 =	simm.s32 $_size_execute0_lowered;
	s3 =	sadd.s32 s3, s5;
	[dreg:$0x0] =	wrdreg $0x0  }
0x20: {  	s5 =	sshll.u32 s28, $0x1;
	[dreg:$0x2] =	wrdreg s3  }
0x21: {  	[dreg:$0x3] =	wrdreg s5  }
0x22: {  	[dreg:$0x4] =	wrdreg $0xC0  }
0x23: {  	_ =	task [dreg:s7], $0x5FFFF  }
0x24: {  	[dreg:$0x1] =	wrdreg $0xFFFFFFFF  }
0x25: {  	[dreg:$0x0] =	wrdreg $0x60  }
0x26: {  	[dreg:$0x2] =	wrdreg s25  }
0x27: {  	[dreg:$0x3] =	wrdreg s2  }
0x28: {  	[dreg:$0x4] =	wrdreg $0x9  }
0x29: {  	_ =	task.clear_ibuf [dreg:s7], $0x5FFFF;
	_ =	strace $0x90000049  }
0x2a: {  	s29 =	simm.s32 $0x9;
	_ =	strace $0x8000004B  }
0x2b: {  	_ =	swait.ge [sflag:s29], $0x1  }
0x2c: {  	[sflag:s29] =	ssyncadd.s32 $0xFFFFFFFF  }
0x2d: {  	_ =	strace $0x9000004B  }
0x2e: {  	_ =	sfence  }
0x2f: {  	s30 =	sld [smem:$0x0];
	_ =	sdelay $0x2  }
0x30: {  	s31 =	sshll.u32 s1, $0xD;
	s1 =	sshrl.u32 s1, $0x2  }
0x31: {  	s3 =	sand.u32 $0x4000, s31;
	s1 =	sadd.s32 s1, s30  }
0x32: {  	s0 =	sor.u32 s3, s0;
	s1 =	sshll.u32 s1, $0x11  }
0x33: {  	s0 =	sor.u32 s1, s0  }
0x34: {  	s0 =	sadd.s32 $0x8F2B, s0  }
0x35: {  	[sflag:s0] =	ssyncadd.remote.s32 $0x1  }
0x36: {  	_ =	sfence.sel $0xFFFF  }
0x37: {  	[dreg:$0x0] =	wrdreg $0xFFFFFFFF;
	(pc) =	sbr.abs _section_cstart, $3  }
0x38: {  	[dreg:$0x1] =	wrdreg $0xFFFFFFFF  }
0x39: {  	_ =	task.clear_ibuf [dreg:s7], $0x2FFFF;
	_ =	strace $0x9FFFFFFF  }
0x3a: {  	(tm) =	ssettm $0x7FFFFFFF  }
0x3b: {  	_ =	shalt  }
tec
execute0_lowered:
.L_overlay_start_1:
0x0: {  	(tag) =	ssettag $0x1  }
0x1: {  	s4 =	rddreg [dreg:$0x0]  }
0x2: {  	s2 =	rddreg [dreg:$0x1]  }
0x3: {  	s0 =	rddreg [dreg:$0x2];
	_ =	strace $0x8000004A  }
0x4: {  	s3 =	srdreg.scid;
	s1 =	stileid.u32;
	s6 =	simm.s32 $0x2  }
.Ltmp0:
0x5: {  	s10 =	simm.s32 $0x0;
	p0 =	por $0x0, $0x0;
	(pc) =	sbr.rel .LBB1_1-.Ltmp0, $4  }
0x6: {  	s11 =	simm.s32 $0x0;
	s9 =	simm.s32 $0x0;
	s5 =	sshll.u32 s3, $0x4  }
0x7: {  	s7 =	simm.s32 $0x0;
	s3 =	simm.s32 $0x1;
	s5 =	sand.u32 $0x10, s5  }
0x8: {  	s4 =	sadd.s32 $0x1E8E00, s4;
	[sflag:s3] =	ssyncpa.u1 $0x0;
	s5 =	sor.u32 s1, s5  }
0x9: {  	[sflag:s6] =	ssyncpa.u1 $0x0;
	s6 =	simm.s32 $0x1EC00;
	s8 =	smov.u32 s5  }
.LBB1_5:
0xa: {  	s12 =	sadd.s32 $0x20, s8  }
0xb: {  	s10 =	sadd.s32 $0x80, s9;
	s14 =	smov.u32 s9;
	p2 =	sgt.s32 s12, $0x3F  }
0xc: {  	p1 =	slt.u32 s7, $0x2;
	s14 =	smov.u32 @p2 s10  }
0xd: {  	s7 =	sadd.s32 $0x1, s7;
	s12 =	smov.u32 @p2 s5;
	p2 =	sgt.s32 s14, $0x3D08  }
0xe: {  	s14 =	simm.s32 @p2 $0x0;
	p2 =	sne.s32 s7, $0xF8  }
.Ltmp1:
0xf: {  	_ = 	snop;
	(pc) =	sbr.rel @!p2 .LBB1_6-.Ltmp1, $4  }
0x10: {  	s13 =	simm.s32 @!p1 $0x2  }
0x11: {  	s11 =	smov.u32 s9;
	_ =	swait.ge @!p1 [sflag:s13], $0x800  }
0x12: {  	p0 =	por !p0, !p0;
	s10 =	smov.u32 s8;
	[sflag:s13] =	ssyncset.done @!p1 $0x0  }
0x13: {  	s8 =	smov.u32 s12;
	[sflag:s13] =	ssyncadd.s32 @!p1 $0xFFFFF800;
	s9 =	smov.u32 s14  }
.LBB1_1:
0x14: {  	p1 =	sgt.u32 s7, $0xF5  }
0x15: {  	p2 =	sgt.s32 @!p1 s9, $0x3C89  }
0x16: {  	s12 =	smov.u32 s9;
	s14 =	smov.u32 s8;
	p2 =	por !p2, p1  }
0x17: {  	s13 =	sshra.s32 @!p1 s9, $0x1F;
	s12 =	simm.s32 @p2 $0x3C89;
	p2 =	sgt.s32 @!p1 s8, $0x3F  }
0x18: {  	s15 =	sshra.s32 @!p1 s8, $0x1F;
	s13 =	sand.u32 @!p1 s13, s9;
	p2 =	por !p2, p1  }
0x19: {  	s12 =	ssub.s32 @!p1 s12, s13;
	s13 =	sand.u32 @!p1 s15, s8;
	s14 =	simm.s32 @p2 $0x3F  }
0x1a: {  	s15 =	sshll.u32 @!p1 s8, $0x4;
	s12 =	sadd.s32 @!p1 $0xFFFFC377, s12;
	s13 =	ssub.s32 @!p1 s14, s13  }
0x1b: {  	p2 =	sgt.s32 @!p1 s12, $0x7F;
	s12 =	sshll.u32 @!p1 s12, $0x4;
	s14 =	sadd.s32 @!p1 $0xFFFFFFC1, s13  }
0x1c: {  	s13 =	ssub.s32 @!p1 $0x40, s13;
	s12 =	ssub.s32 @!p1 $0x800, s12;
	p3 =	sgt.s32 @!p1 s14, $0x0  }
0x1d: {  	p2 =	por !p2, p1;
	s14 =	sxor.u32 @!p1 $0xFFFFFFFF, s7;
	p3 =	por !p3, p1  }
0x1e: {  	s12 =	simm.s32 @!p2 $0x0;
	s14 =	sshll.u32 @!p1 s14, $0xB;
	s13 =	simm.s32 @!p3 $0x0  }
0x1f: {  	s12 =	smul.u32 @!p1 s13, s12;
	s13 =	sand.u32 @!p1 $0x800, s14;
	s14 =	sshll.u32 @!p1 s9, $0xA  }
0x20: {  	s16 =	simm.s32 @!p1 $0x2000;
	s15 =	sand.u32 @!p1 $0x3F0, s15;
	s14 =	sadd.s32 @!p1 s4, s14  }
0x21: {  	s12 =	sand.u32 @!p1 $0x3FFFFFF0, s12;
	s14 =	sadd.s32 @!p1 s15, s14;
	s15 =	simm.s32 @!p1 $0x10  }
0x22: {  	[tilespmem:s13], [sflag:$0x1] =	stream.strided.gather @!p1 [hbm4b:s14+s15], s12, s16, s15, $0x38;
	[tilespmem:$0x2020] =	vst v63  }
0x23: {  	p1 =	seq.s32 s7, $0x0  }
0x24: {  	p2 =	seq.s32 @!p1 s7, $0xF7  }
0x25: {  	p1 =	por p1, p2  }
.Ltmp2:
0x26: {  	_ = 	snop;
	(pc) =	sbr.rel @p1 .LBB1_5-.Ltmp2, $1  }
0x27: {  	_ =	sdelay $0x3  }
0x28: {  	p1 =	sgt.s32 s11, $0x3C89;
	s12 =	smov.u32 s11  }
0x29: {  	s14 =	sshra.s32 s11, $0x1F;
	s15 =	smov.u32 s10;
	s16 =	sshra.s32 s10, $0x1F  }
0x2a: {  	s12 =	simm.s32 @!p1 $0x3C89;
	s14 =	sand.u32 s14, s11;
	p1 =	sgt.s32 s10, $0x3F  }
0x2b: {  	s27 =	sand.u32 s16, s10;
	s12 =	ssub.s32 s12, s14;
	s15 =	simm.s32 @!p1 $0x3F  }
0x2c: {  	s13 =	simm.s32 $0x1;
	s12 =	sadd.s32 $0xFFFFC377, s12;
	s14 =	ssub.s32 s15, s27  }
0x2d: {  	p1 =	sgt.s32 s12, $0x7F;
	s15 =	sadd.s32 $0xFFFFFFC1, s14;
	s12 =	sshll.u32 s12, $0x4  }
0x2e: {  	s14 =	ssub.s32 $0x40, s14;
	p2 =	sgt.s32 s15, $0x0;
	s12 =	ssub.s32 $0x800, s12  }
0x2f: {  	s13 =	simm.s32 @!p0 $0x0;
	s14 =	simm.s32 @p2 $0x0;
	s12 =	simm.s32 @p1 $0x0  }
0x30: {  	s28 =	sshll.u32 s13, $0xB;
	s12 =	smul.u32 s14, s12  }
0x31: {  	v1 =	vmov s28  }
0x32: {  	s12 =	sand.u32 $0x3FFFFFF0, s12  }
0x33: {  	_ =	swait.ge [sflag:s3], s12  }
0x34: {  	s29 =	sand.u32 $0x1, s7;
	s12 =	ssub.s32 $0x0, s12;
	[sflag:s3] =	ssyncset.done $0x0  }
0x35: {  	s31 =	simm.s32 $0x0;
	s13 =	smul.u32 $0x2040, s13;
	[sflag:s3] =	ssyncadd.s32 s12  }
0x36: {  	s14 =	smul.u32 $0x2040, s29;
	v0 =	vld.idx.msk [tilespmem:v1+s31+$0x0 ss:$0x1], $0xffff;
	_ =	sdelay $0x1  }
0x37: {  	s13 =	sshrl.u32 s13, $0x2;
	s30 =	sshrl.u32 s14, $0x2  }
0x38: {  	s13 =	sor.u32 $0x1000, s13;
	s14 =	simm.s32 $0x40;
	s12 =	sor.u32 $0x1000, s30  }
.LBB1_3:
0x39: {  	s15 =	sshra.s32 s14, $0x2;
	p1 =	sne.s32 s14, $0x1FC0;
	s14 =	sadd.s32 $0x40, s14  }
.Ltmp3:
0x3a: {  	[tilespmem:s13+$0x0 ss:$0x81] =	vst.msk $0xffff, v0;
	v0 =	vld.idx.msk [tilespmem:v1+s15+$0x0 ss:$0x1], $0xffff;
	(pc) =	sbr.rel @p1 .LBB1_3-.Ltmp3, $2  }
0x3b: {  	_ =	sdelay $0x2  }
0x3c: {  	s13 =	sadd.s32 $0x1, s13  }
0x3d: {  	s14 =	sshll.u32 s11, $0x3  }
0x3e: {  	s14 =	sand.u32 $0xFFFFFC00, s14  }
0x3f: {  	s15 =	sshrl.u32 s14, $0x7  }
0x40: {  	s15 =	smulhi.u32 $0x214D022, s15  }
0x41: {  	s10 =	smul.u32 $0x7B00, s10  }
0x42: {  	s27 =	sand.u32 $0x7F, s11;
	s16 =	smul.u32 $0x3D80, s15;
	s28 =	sand.u32 $0xF, s15  }
0x43: {  	s11 =	sor.u32 s27, s14;
	s14 =	smul.u32 $0x7B0, s28  }
.Ltmp4:
0x44: {  	s11 =	ssub.s32 s11, s16;
	(pc) =	sbr.rel .LBB1_5-.Ltmp4, $4  }
0x45: {  	s10 =	sadd.s32 s2, s10;
	s29 =	sand.u32 $0x7, s11  }
0x46: {  	s10 =	sadd.s32 s14, s10;
	s11 =	sshrl.u32 s11, $0x3;
	s30 =	sshll.u32 s29, $0x12  }
0x47: {  	[tilespmem:s13+$0x0 ss:$0x81] =	vst.msk $0xffff, v0;
	s10 =	sadd.s32 s11, s10;
	s31 =	sor.u32 $0x400, s30  }
0x48: {  	[hbm4b:s10+s31] =	stream.strided.scatter [tilespmem:s12], [sflag:$0x2], $0x800, s6, s31, $0x20;
	[tilespmem:$0x2020] =	vst v63  }
.LBB1_6:
0x49: {  	_ =	sfence.sel $0x180000  }
0x4a: {  	s2 =	simm.s32 $0x1;
	[bflag:$0x0] =	sbarrier.arrive $0xFFFF  }
0x4b: {  	s31 =	simm.s32 $0x2;
	[sflag:s2] =	ssyncpa.u1 $0x1  }
0x4c: {  	[sflag:s31] =	ssyncpa.u1 $0x1  }
0x4d: {  	p0 =	sne.s32 s1, $0x0;
	_ =	strace $0x9000004A  }
0x4e: {  	s0 =	sadd.s32 @!p0 $0x100000, s0;
	[bflag:$0x2] =	sbarrier.arrive $0xFFFF  }
0x4f: {  	[sflag:s0] =	ssyncadd.tile.s32 @!p0 $0x1;
	_ =	shalt  }
.Lfunc_end1:
_tile_overlayer_lowered:
.L_overlay_start_2:
0x50: {  	(tag) =	ssettag $0x2  }
0x51: {  	s0 =	rddreg [dreg:$0x0];
	s2 =	stileid.u32  }
0x52: {  	s1 =	rddreg [dreg:$0x1];
	p0 =	sne.s32 s2, $0x0  }
0x53: {  	s3 =	rddreg [dreg:$0x2];
	[bflag:$0x3] =	sbarrier.arrive $0xFFFF;
	s2 =	simm.s32 @!p0 $0x1C01  }
0x54: {  	[timem:s3], [sflag:s2] =	dma.local @!p0 [hbm:s0], s1  }
0x55: {  	s0 =	simm.s32 @!p0 $0x1  }
0x56: {  	_ =	swait.ge @!p0 [sflag:s0], s1  }
0x57: {  	s1 =	ssub.s32 @!p0 $0x0, s1;
	[sflag:s0] =	ssyncset.done @!p0 $0x0  }
0x58: {  	[sflag:s0] =	ssyncadd.s32 @!p0 s1  }
0x59: {  	[bflag:$0x3] =	sbarrier.arrive $0xFFFF  }
0x5a: {  	_ =	shalt  }

</sc_bundles>
